<compile_context>
chip_gen: v7x
topology: tpu7x:2x2x1
jax: 0.10.2.dev20260603
libtpu: 0.0.44.dev20260713+nightly
codegen_flags: <defaults>
</compile_context>

<pallas_src>
import functools

import jax
import jax.numpy as jnp
from jax import lax
from jax.experimental import pallas as pl
from jax.experimental.pallas import tpu as pltpu
from jax.experimental.pallas import tpu_sc as plsc

N = 10000
E = 320000
H = 128
DE = 16
HH = H // 2

NC = 2
NS = 16
EB = 128
NBLK = E // EB
BLK_PER_S = -(-NBLK // NS)
ROWS_PER_S = 624
TAIL = N - ROWS_PER_S * NS
ZCH = 208


def _sc_segment_sums(feat_halves, src2d, dst2d, edge_w):
    mesh = plsc.VectorSubcoreMesh(core_axis_name="c", subcore_axis_name="s")

    @functools.partial(
        pl.kernel,
        mesh=mesh,
        compiler_params=pltpu.CompilerParams(use_tc_tiling_on_sc=False),
        out_type=(
            jax.ShapeDtypeStruct((NC, N, HH), jnp.float32),
            jax.ShapeDtypeStruct((N, DE), jnp.float32),
            jax.ShapeDtypeStruct((N, DE), jnp.float32),
        ),
        scratch_types=[
            pltpu.VMEM((EB,), jnp.int32),
            pltpu.VMEM((EB,), jnp.int32),
            pltpu.VMEM((EB, HH), jnp.float32),
            pltpu.VMEM((EB, DE), jnp.float32),
            pltpu.VMEM((ZCH, HH), jnp.float32),
            pltpu.VMEM((ZCH, DE), jnp.float32),
            pltpu.VMEM_SHARED((N, HH), jnp.float32),
            pltpu.VMEM_SHARED((N, DE), jnp.float32),
            pltpu.SemaphoreType.DMA,
        ],
    )
    def k(feat_hbm, src_hbm, dst_hbm, ew_hbm,
          h1_out, se_out, cnt_out,
          src_v, dst_v, rows_v, ew_v, z_w, z_n,
          acc_h1, acc_nar, sem):
        c = lax.axis_index("c")
        s = lax.axis_index("s")

        zero16 = jnp.zeros((16,), jnp.float32)
        one16 = jnp.ones((16,), jnp.float32)

        @pl.loop(0, ZCH)
        def _(i):
            @pl.loop(0, HH // 16)
            def _(l):
                z_w[i, pl.ds(l * 16, 16)] = zero16
            z_n[i, pl.ds(0, 16)] = zero16

        @pl.when(c == 1)
        def _():
            @pl.loop(0, EB)
            def _(i):
                ew_v[i, pl.ds(0, 16)] = one16

        for ch in range(ROWS_PER_S // ZCH):
            base = s * ROWS_PER_S + ch * ZCH
            pltpu.sync_copy(z_w, acc_h1.at[pl.ds(base, ZCH)])
            pltpu.sync_copy(z_n, acc_nar.at[pl.ds(base, ZCH)])

        @pl.when(s == NS - 1)
        def _():
            tb = ROWS_PER_S * NS
            pltpu.sync_copy(z_w.at[pl.ds(0, TAIL)], acc_h1.at[pl.ds(tb, TAIL)])
            pltpu.sync_copy(z_n.at[pl.ds(0, TAIL)], acc_nar.at[pl.ds(tb, TAIL)])

        plsc.subcore_barrier()

        @pl.loop(0, BLK_PER_S)
        def _(kk):
            j = kk * NS + s

            @pl.when(j < NBLK)
            def _():
                pltpu.sync_copy(src_hbm.at[j], src_v)
                pltpu.sync_copy(dst_hbm.at[j], dst_v)

                @pl.when(c == 0)
                def _():
                    pltpu.sync_copy(ew_hbm.at[pl.ds(j * EB, EB)], ew_v)

                pltpu.async_copy(feat_hbm.at[c].at[src_v], rows_v, sem).wait()
                pltpu.sync_copy(rows_v, acc_h1.at[dst_v], add=True)
                pltpu.sync_copy(ew_v, acc_nar.at[dst_v], add=True)

        plsc.subcore_barrier()

        rbase = s * ROWS_PER_S
        pltpu.sync_copy(acc_h1.at[pl.ds(rbase, ROWS_PER_S)],
                        h1_out.at[c].at[pl.ds(rbase, ROWS_PER_S)])

        @pl.when(c == 0)
        def _():
            pltpu.sync_copy(acc_nar.at[pl.ds(rbase, ROWS_PER_S)],
                            se_out.at[pl.ds(rbase, ROWS_PER_S)])

        @pl.when(c == 1)
        def _():
            pltpu.sync_copy(acc_nar.at[pl.ds(rbase, ROWS_PER_S)],
                            cnt_out.at[pl.ds(rbase, ROWS_PER_S)])

        @pl.when(s == NS - 1)
        def _():
            tb = ROWS_PER_S * NS
            pltpu.sync_copy(acc_h1.at[pl.ds(tb, TAIL)],
                            h1_out.at[c].at[pl.ds(tb, TAIL)])

            @pl.when(c == 0)
            def _():
                pltpu.sync_copy(acc_nar.at[pl.ds(tb, TAIL)],
                                se_out.at[pl.ds(tb, TAIL)])

            @pl.when(c == 1)
            def _():
                pltpu.sync_copy(acc_nar.at[pl.ds(tb, TAIL)],
                                cnt_out.at[pl.ds(tb, TAIL)])

    return k(feat_halves, src2d, dst2d, edge_w)


def _tc_epilogue(h1h, se, cnt, features, Wb_t, b_bond, W1_t, b1, W2_t, b2,
                 g1, be1, g2, be2):

    def body(h1h_ref, se_ref, cnt_ref, feat_ref, wbt_ref, bb_ref,
             w1t_ref, b1_ref, w2t_ref, b2_ref, g1_ref, be1_ref,
             g2_ref, be2_ref, y_ref):
        h1 = jnp.concatenate([h1h_ref[0], h1h_ref[1]], axis=1)
        cnt = cnt_ref[:, 0:1]
        h2 = jnp.dot(se_ref[...], wbt_ref[...],
                     preferred_element_type=jnp.float32)
        h2 = h2 + cnt * bb_ref[...]
        x = jnp.dot(h1, w1t_ref[...], preferred_element_type=jnp.float32)
        x = x + b1_ref[...] + h2
        mean1 = jnp.mean(x, axis=0, keepdims=True)
        var1 = jnp.mean(jnp.square(x), axis=0, keepdims=True) - jnp.square(mean1)
        x = (x - mean1) * lax.rsqrt(var1 + 1e-5) * g1_ref[...] + be1_ref[...]
        x = jnp.maximum(x, 0.0)
        y = jnp.dot(x, w2t_ref[...], preferred_element_type=jnp.float32)
        y = y + b2_ref[...] + feat_ref[...]
        mean2 = jnp.mean(y, axis=0, keepdims=True)
        var2 = jnp.mean(jnp.square(y), axis=0, keepdims=True) - jnp.square(mean2)
        y = (y - mean2) * lax.rsqrt(var2 + 1e-5) * g2_ref[...] + be2_ref[...]
        y_ref[...] = jnp.maximum(y, 0.0)

    return pl.pallas_call(
        body,
        out_shape=jax.ShapeDtypeStruct((N, H), jnp.float32),
    )(h1h, se, cnt, features, Wb_t, b_bond, W1_t, b1, W2_t, b2,
      g1, be1, g2, be2)


@jax.jit
def kernel(features, edge_w, W_bond, b_bond, W1, b1, W2, b2,
           bn1_gamma, bn1_beta, bn2_gamma, bn2_beta, edge_index):
    src2d = edge_index[0].astype(jnp.int32).reshape(NBLK, EB)
    dst2d = edge_index[1].astype(jnp.int32).reshape(NBLK, EB)
    feat_halves = jnp.stack([features[:, :HH], features[:, HH:]])

    h1h, se, cnt = _sc_segment_sums(feat_halves, src2d, dst2d, edge_w)

    return _tc_epilogue(
        h1h, se, cnt, features,
        W_bond.astype(jnp.float32).T, b_bond.reshape(1, H),
        W1.T, b1.reshape(1, H), W2.T, b2.reshape(1, H),
        bn1_gamma.reshape(1, H), bn1_beta.reshape(1, H),
        bn2_gamma.reshape(1, H), bn2_beta.reshape(1, H),
    )

# --- scband reference (transcript-rebuilt; emitter-appended) ---
"""Pipeline reference for scband-structure2-vec-layer-40922448396570 (READ-ONLY COPY).

The authoritative reference and input builder live on the scoring server;
editing this copy changes nothing except your own understanding.
"""

import jax, jax.numpy as jnp
import numpy as np

N = 10000
E = 320000
H = 128
DE = 16

def _batchnorm(x, gamma, beta, eps=1e-5):
    mean = jnp.mean(x, axis=0)
    var = jnp.var(x, axis=0)
    return (x - mean) / jnp.sqrt(var + eps) * gamma + beta

def setup_inputs(seed: int = 0) -> dict:
    key = jax.random.key(seed)
    ks = jax.random.split(key, 8)
    features = jax.random.normal(ks[0], (N, H), dtype=jnp.float32)
    edge_index = jax.random.randint(ks[1], (2, E), 0, N, dtype=jnp.int64)
    edge_w = jax.random.normal(ks[2], (E, DE), dtype=jnp.float32)
    W_bond = jax.random.normal(ks[3], (H, DE), dtype=jnp.float32) * (1.0 / np.sqrt(DE))
    b_bond = jnp.zeros((H,), dtype=jnp.float32)
    W1 = jax.random.normal(ks[4], (H, H), dtype=jnp.float32) * (1.0 / np.sqrt(H))
    b1 = jnp.zeros((H,), dtype=jnp.float32)
    W2 = jax.random.normal(ks[5], (H, H), dtype=jnp.float32) * (1.0 / np.sqrt(H))
    b2 = jnp.zeros((H,), dtype=jnp.float32)
    bn1_gamma = jnp.ones((H,), dtype=jnp.float32)
    bn1_beta = jnp.zeros((H,), dtype=jnp.float32)
    bn2_gamma = jnp.ones((H,), dtype=jnp.float32)
    bn2_beta = jnp.zeros((H,), dtype=jnp.float32)
    return {
        "features": features,
        "edge_w": edge_w,
        "W_bond": W_bond, "b_bond": b_bond,
        "W1": W1, "b1": b1,
        "W2": W2, "b2": b2,
        "bn1_gamma": bn1_gamma, "bn1_beta": bn1_beta,
        "bn2_gamma": bn2_gamma, "bn2_beta": bn2_beta,
        "edge_index": edge_index,
    }

def reference(features, edge_w, W_bond, b_bond, W1, b1, W2, b2,
              bn1_gamma, bn1_beta, bn2_gamma, bn2_beta, edge_index):
    src = edge_index[0]
    dst = edge_index[1]
    # bond_layer: per-edge linear on bond features
    h_e = edge_w @ W_bond.T + b_bond
    # message passing: sum of source node features and edge hidden per dst node
    h1 = jax.ops.segment_sum(features[src], dst, num_segments=N)
    h2 = jax.ops.segment_sum(h_e, dst, num_segments=N)
    # h = relu(bn1(hidden_layer1(h1) + h2))
    x = h1 @ W1.T + b1 + h2
    x = jax.nn.relu(_batchnorm(x, bn1_gamma, bn1_beta))
    # h = relu(bn2(hidden_layer2(h) + features))
    y = x @ W2.T + b2 + features
    y = jax.nn.relu(_batchnorm(y, bn2_gamma, bn2_beta))
    # dropout=0 -> Identity
    return y

if __name__ == "__main__":
    import jax
    _d = setup_inputs()
    print(jax.jit(kernel)(*tuple(_d.values())))

</pallas_src>

<mosaic_0001>
#map = affine_map<(d0, d1) -> (0, 0, 0)>
#map1 = affine_map<(d0, d1) -> (0, 0)>
module attributes {stable_mosaic.version = 14 : i64} {
  func.func @k(%arg0: i32, %arg1: i32, %arg2: memref<2x10000x64xf32, #tpu.memory_space<hbm>>, %arg3: memref<2500x128xi32, #tpu.memory_space<hbm>>, %arg4: memref<2500x128xi32, #tpu.memory_space<hbm>>, %arg5: memref<320000x16xf32, #tpu.memory_space<hbm>>, %arg6: memref<2x10000x64xf32, #tpu.memory_space<hbm>>, %arg7: memref<10000x16xf32, #tpu.memory_space<hbm>>, %arg8: memref<10000x16xf32, #tpu.memory_space<hbm>>, %arg9: memref<128xi32, #tpu.memory_space<vmem>>, %arg10: memref<128xi32, #tpu.memory_space<vmem>>, %arg11: memref<128x64xf32, #tpu.memory_space<vmem>>, %arg12: memref<128x16xf32, #tpu.memory_space<vmem>>, %arg13: memref<208x64xf32, #tpu.memory_space<vmem>>, %arg14: memref<208x16xf32, #tpu.memory_space<vmem>>, %arg15: memref<10000x64xf32, #tpu.memory_space<vmem_shared>>, %arg16: memref<10000x16xf32, #tpu.memory_space<vmem_shared>>, %arg17: memref<!tpu.dma_semaphore, #tpu.memory_space<semaphore_mem>>) attributes {dimension_semantics = [#tpu.dimension_semantics<core_parallel>, #tpu.dimension_semantics<subcore_parallel>], iteration_bounds = array<i64: 2, 16>, scalar_prefetch = 0 : i64, scratch_operands = 9 : i64, tpu.core_type = #tpu.core_type<sc_vector_subcore>, window_params = [{transform_indices = #map}, {transform_indices = #map1}, {transform_indices = #map1}, {transform_indices = #map1}, {transform_indices = #map}, {transform_indices = #map1}, {transform_indices = #map1}]} {
    %broadcast_in_dim3A = arith.constant 0.000000e+00 : f32
    %broadcast_in_dim3A_0 = vector.broadcast %broadcast_in_dim3A : f32 to vector<16xf32>
    %broadcast_in_dim3A_1 = arith.constant 1.000000e+00 : f32
    %broadcast_in_dim3A_2 = vector.broadcast %broadcast_in_dim3A_1 : f32 to vector<16xf32>
    %scan3A = arith.constant 0 : i32
    %scan3A_3 = arith.constant 208 : i32
    %scan3A_4 = arith.addi %scan3A, %scan3A_3 : i32
    %scan3A_5 = arith.constant 1 : i32
    scf.for %scan3A_47 = %scan3A to %scan3A_4 step %scan3A_5  : i32 {
      %mul3A_48 = arith.constant 1 : i32
      %mul3A_49 = arith.muli %scan3A_47, %mul3A_48 : i32
      %add3A_50 = arith.constant 0 : i32
      %add3A_51 = arith.addi %add3A_50, %mul3A_49 : i32
      %scan3A_52 = arith.constant 0 : i32
      %scan3A_53 = arith.constant 4 : i32
      %scan3A_54 = arith.addi %scan3A_52, %scan3A_53 : i32
      %scan3A_55 = arith.constant 1 : i32
      scf.for %scan3A_61 = %scan3A_52 to %scan3A_54 step %scan3A_55  : i32 {
        %mul3A_62 = arith.constant 1 : i32
        %mul3A_63 = arith.muli %scan3A_61, %mul3A_62 : i32
        %add3A_64 = arith.constant 0 : i32
        %add3A_65 = arith.addi %add3A_64, %mul3A_63 : i32
        %mul3A_66 = arith.constant 16 : i32
        %mul3A_67 = arith.muli %add3A_65, %mul3A_66 : i32
        %swap3A_68 = arith.index_cast %add3A_51 : i32 to index
        %swap3A_69 = arith.index_cast %mul3A_67 : i32 to index
        %swap3A_70 = tpu.vector_load %arg13[%swap3A_68, %swap3A_69] {strides = array<i32>} : memref<208x64xf32, #tpu.memory_space<vmem>>, vector<1x16xf32>,
        %swap3A_71 = vector.shape_cast %swap3A_70 : vector<1x16xf32> to vector<16xf32>
        %swap3A_72 = vector.shape_cast %broadcast_in_dim3A_0 : vector<16xf32> to vector<1x16xf32>
        tpu.vector_store %arg13[%swap3A_68, %swap3A_69], %swap3A_72 {strides = array<i32>} : memref<208x64xf32, #tpu.memory_space<vmem>>, vector<1x16xf32>,
      }
      %scan3A_56 = arith.constant 4 : i32
      %swap3A = arith.index_cast %add3A_51 : i32 to index
      %swap3A_57 = arith.constant 0 : index
      %swap3A_58 = tpu.vector_load %arg14[%swap3A, %swap3A_57] {strides = array<i32>} : memref<208x16xf32, #tpu.memory_space<vmem>>, vector<1x16xf32>,
      %swap3A_59 = vector.shape_cast %swap3A_58 : vector<1x16xf32> to vector<16xf32>
      %swap3A_60 = vector.shape_cast %broadcast_in_dim3A_0 : vector<16xf32> to vector<1x16xf32>
      tpu.vector_store %arg14[%swap3A, %swap3A_57], %swap3A_60 {strides = array<i32>} : memref<208x16xf32, #tpu.memory_space<vmem>>, vector<1x16xf32>,
    }
    %scan3A_6 = arith.constant 208 : i32
    %eq3A = arith.constant 1 : i32
    %eq3A_7 = arith.cmpi eq, %arg0, %eq3A : i32
    %convert_element_type3A = arith.extui %eq3A_7 : i1 to i32
    %cond3A = arith.constant 0 : i32
    %cond3A_8 = arith.cmpi ne, %convert_element_type3A, %cond3A : i32
    scf.if %cond3A_8 {
      %scan3A_47 = arith.constant 0 : i32
      %scan3A_48 = arith.constant 128 : i32
      %scan3A_49 = arith.addi %scan3A_47, %scan3A_48 : i32
      %scan3A_50 = arith.constant 1 : i32
      scf.for %scan3A_52 = %scan3A_47 to %scan3A_49 step %scan3A_50  : i32 {
        %mul3A_53 = arith.constant 1 : i32
        %mul3A_54 = arith.muli %scan3A_52, %mul3A_53 : i32
        %add3A_55 = arith.constant 0 : i32
        %add3A_56 = arith.addi %add3A_55, %mul3A_54 : i32
        %swap3A = arith.index_cast %add3A_56 : i32 to index
        %swap3A_57 = arith.constant 0 : index
        %swap3A_58 = tpu.vector_load %arg12[%swap3A, %swap3A_57] {strides = array<i32>} : memref<128x16xf32, #tpu.memory_space<vmem>>, vector<1x16xf32>,
        %swap3A_59 = vector.shape_cast %swap3A_58 : vector<1x16xf32> to vector<16xf32>
        %swap3A_60 = vector.shape_cast %broadcast_in_dim3A_2 : vector<16xf32> to vector<1x16xf32>
        tpu.vector_store %arg12[%swap3A, %swap3A_57], %swap3A_60 {strides = array<i32>} : memref<128x16xf32, #tpu.memory_space<vmem>>, vector<1x16xf32>,
      }
      %scan3A_51 = arith.constant 128 : i32
    } else {
    }
    %mul3A = arith.constant 624 : i32
    %mul3A_9 = arith.muli %arg1, %mul3A : i32
    %add3A = arith.constant 0 : i32
    %add3A_10 = arith.addi %mul3A_9, %add3A : i32
    "tpu.region"() ({
      %run_scoped3A = tpu.sem_alloc : memref<!tpu.dma_semaphore, #tpu.memory_space<semaphore_mem>>
      %dma_start3A = arith.constant 0 : i32
      %dma_start3A_47 = tpu.memref_slice %arg15[%add3A_10, %dma_start3A] : memref<10000x64xf32, #tpu.memory_space<vmem_shared>> -> memref<208x64xf32, #tpu.memory_space<vmem_shared>>
      %dma_start3A_48 = arith.constant 0 : i32
      %dma_start3A_49 = tpu.memref_slice %arg15[%add3A_10, %dma_start3A_48] : memref<10000x64xf32, #tpu.memory_space<vmem_shared>> -> memref<208x64xf32, #tpu.memory_space<vmem_shared>>
      tpu.enqueue_dma source(%arg13 : memref<208x64xf32, #tpu.memory_space<vmem>>) target(%dma_start3A_49 : memref<208x64xf32, #tpu.memory_space<vmem_shared>>) target_semaphore(%run_scoped3A : memref<!tpu.dma_semaphore, #tpu.memory_space<semaphore_mem>>)
      %dma_wait3A = arith.constant 0 : i32
      %dma_wait3A_50 = tpu.memref_slice %arg15[%add3A_10, %dma_wait3A] : memref<10000x64xf32, #tpu.memory_space<vmem_shared>> -> memref<208x64xf32, #tpu.memory_space<vmem_shared>>
      %dma_wait3A_51 = arith.constant 0 : i32
      %dma_wait3A_52 = tpu.memref_slice %arg15[%add3A_10, %dma_wait3A_51] : memref<10000x64xf32, #tpu.memory_space<vmem_shared>> -> memref<208x64xf32, #tpu.memory_space<vmem_shared>>
      tpu.wait_dma2 semaphore(%run_scoped3A : memref<!tpu.dma_semaphore, #tpu.memory_space<semaphore_mem>>) src(%arg13 : memref<208x64xf32, #tpu.memory_space<vmem>>) dst(%dma_wait3A_52 : memref<208x64xf32, #tpu.memory_space<vmem_shared>>)
      tpu.yield
    }) : () -> ()
    "tpu.region"() ({
      %run_scoped3A = tpu.sem_alloc : memref<!tpu.dma_semaphore, #tpu.memory_space<semaphore_mem>>
      %dma_start3A = arith.constant 0 : i32
      %dma_start3A_47 = tpu.memref_slice %arg16[%add3A_10, %dma_start3A] : memref<10000x16xf32, #tpu.memory_space<vmem_shared>> -> memref<208x16xf32, #tpu.memory_space<vmem_shared>>
      %dma_start3A_48 = arith.constant 0 : i32
      %dma_start3A_49 = tpu.memref_slice %arg16[%add3A_10, %dma_start3A_48] : memref<10000x16xf32, #tpu.memory_space<vmem_shared>> -> memref<208x16xf32, #tpu.memory_space<vmem_shared>>
      tpu.enqueue_dma source(%arg14 : memref<208x16xf32, #tpu.memory_space<vmem>>) target(%dma_start3A_49 : memref<208x16xf32, #tpu.memory_space<vmem_shared>>) target_semaphore(%run_scoped3A : memref<!tpu.dma_semaphore, #tpu.memory_space<semaphore_mem>>)
      %dma_wait3A = arith.constant 0 : i32
      %dma_wait3A_50 = tpu.memref_slice %arg16[%add3A_10, %dma_wait3A] : memref<10000x16xf32, #tpu.memory_space<vmem_shared>> -> memref<208x16xf32, #tpu.memory_space<vmem_shared>>
      %dma_wait3A_51 = arith.constant 0 : i32
      %dma_wait3A_52 = tpu.memref_slice %arg16[%add3A_10, %dma_wait3A_51] : memref<10000x16xf32, #tpu.memory_space<vmem_shared>> -> memref<208x16xf32, #tpu.memory_space<vmem_shared>>
      tpu.wait_dma2 semaphore(%run_scoped3A : memref<!tpu.dma_semaphore, #tpu.memory_space<semaphore_mem>>) src(%arg14 : memref<208x16xf32, #tpu.memory_space<vmem>>) dst(%dma_wait3A_52 : memref<208x16xf32, #tpu.memory_space<vmem_shared>>)
      tpu.yield
    }) : () -> ()
    %mul3A_11 = arith.constant 624 : i32
    %mul3A_12 = arith.muli %arg1, %mul3A_11 : i32
    %add3A_13 = arith.constant 208 : i32
    %add3A_14 = arith.addi %mul3A_12, %add3A_13 : i32
    "tpu.region"() ({
      %run_scoped3A = tpu.sem_alloc : memref<!tpu.dma_semaphore, #tpu.memory_space<semaphore_mem>>
      %dma_start3A = arith.constant 0 : i32
      %dma_start3A_47 = tpu.memref_slice %arg15[%add3A_14, %dma_start3A] : memref<10000x64xf32, #tpu.memory_space<vmem_shared>> -> memref<208x64xf32, #tpu.memory_space<vmem_shared>>
      %dma_start3A_48 = arith.constant 0 : i32
      %dma_start3A_49 = tpu.memref_slice %arg15[%add3A_14, %dma_start3A_48] : memref<10000x64xf32, #tpu.memory_space<vmem_shared>> -> memref<208x64xf32, #tpu.memory_space<vmem_shared>>
      tpu.enqueue_dma source(%arg13 : memref<208x64xf32, #tpu.memory_space<vmem>>) target(%dma_start3A_49 : memref<208x64xf32, #tpu.memory_space<vmem_shared>>) target_semaphore(%run_scoped3A : memref<!tpu.dma_semaphore, #tpu.memory_space<semaphore_mem>>)
      %dma_wait3A = arith.constant 0 : i32
      %dma_wait3A_50 = tpu.memref_slice %arg15[%add3A_14, %dma_wait3A] : memref<10000x64xf32, #tpu.memory_space<vmem_shared>> -> memref<208x64xf32, #tpu.memory_space<vmem_shared>>
      %dma_wait3A_51 = arith.constant 0 : i32
      %dma_wait3A_52 = tpu.memref_slice %arg15[%add3A_14, %dma_wait3A_51] : memref<10000x64xf32, #tpu.memory_space<vmem_shared>> -> memref<208x64xf32, #tpu.memory_space<vmem_shared>>
      tpu.wait_dma2 semaphore(%run_scoped3A : memref<!tpu.dma_semaphore, #tpu.memory_space<semaphore_mem>>) src(%arg13 : memref<208x64xf32, #tpu.memory_space<vmem>>) dst(%dma_wait3A_52 : memref<208x64xf32, #tpu.memory_space<vmem_shared>>)
      tpu.yield
    }) : () -> ()
    "tpu.region"() ({
      %run_scoped3A = tpu.sem_alloc : memref<!tpu.dma_semaphore, #tpu.memory_space<semaphore_mem>>
      %dma_start3A = arith.constant 0 : i32
      %dma_start3A_47 = tpu.memref_slice %arg16[%add3A_14, %dma_start3A] : memref<10000x16xf32, #tpu.memory_space<vmem_shared>> -> memref<208x16xf32, #tpu.memory_space<vmem_shared>>
      %dma_start3A_48 = arith.constant 0 : i32
      %dma_start3A_49 = tpu.memref_slice %arg16[%add3A_14, %dma_start3A_48] : memref<10000x16xf32, #tpu.memory_space<vmem_shared>> -> memref<208x16xf32, #tpu.memory_space<vmem_shared>>
      tpu.enqueue_dma source(%arg14 : memref<208x16xf32, #tpu.memory_space<vmem>>) target(%dma_start3A_49 : memref<208x16xf32, #tpu.memory_space<vmem_shared>>) target_semaphore(%run_scoped3A : memref<!tpu.dma_semaphore, #tpu.memory_space<semaphore_mem>>)
      %dma_wait3A = arith.constant 0 : i32
      %dma_wait3A_50 = tpu.memref_slice %arg16[%add3A_14, %dma_wait3A] : memref<10000x16xf32, #tpu.memory_space<vmem_shared>> -> memref<208x16xf32, #tpu.memory_space<vmem_shared>>
      %dma_wait3A_51 = arith.constant 0 : i32
      %dma_wait3A_52 = tpu.memref_slice %arg16[%add3A_14, %dma_wait3A_51] : memref<10000x16xf32, #tpu.memory_space<vmem_shared>> -> memref<208x16xf32, #tpu.memory_space<vmem_shared>>
      tpu.wait_dma2 semaphore(%run_scoped3A : memref<!tpu.dma_semaphore, #tpu.memory_space<semaphore_mem>>) src(%arg14 : memref<208x16xf32, #tpu.memory_space<vmem>>) dst(%dma_wait3A_52 : memref<208x16xf32, #tpu.memory_space<vmem_shared>>)
      tpu.yield
    }) : () -> ()
    %mul3A_15 = arith.constant 624 : i32
    %mul3A_16 = arith.muli %arg1, %mul3A_15 : i32
    %add3A_17 = arith.constant 416 : i32
    %add3A_18 = arith.addi %mul3A_16, %add3A_17 : i32
    "tpu.region"() ({
      %run_scoped3A = tpu.sem_alloc : memref<!tpu.dma_semaphore, #tpu.memory_space<semaphore_mem>>
      %dma_start3A = arith.constant 0 : i32
      %dma_start3A_47 = tpu.memref_slice %arg15[%add3A_18, %dma_start3A] : memref<10000x64xf32, #tpu.memory_space<vmem_shared>> -> memref<208x64xf32, #tpu.memory_space<vmem_shared>>
      %dma_start3A_48 = arith.constant 0 : i32
      %dma_start3A_49 = tpu.memref_slice %arg15[%add3A_18, %dma_start3A_48] : memref<10000x64xf32, #tpu.memory_space<vmem_shared>> -> memref<208x64xf32, #tpu.memory_space<vmem_shared>>
      tpu.enqueue_dma source(%arg13 : memref<208x64xf32, #tpu.memory_space<vmem>>) target(%dma_start3A_49 : memref<208x64xf32, #tpu.memory_space<vmem_shared>>) target_semaphore(%run_scoped3A : memref<!tpu.dma_semaphore, #tpu.memory_space<semaphore_mem>>)
      %dma_wait3A = arith.constant 0 : i32
      %dma_wait3A_50 = tpu.memref_slice %arg15[%add3A_18, %dma_wait3A] : memref<10000x64xf32, #tpu.memory_space<vmem_shared>> -> memref<208x64xf32, #tpu.memory_space<vmem_shared>>
      %dma_wait3A_51 = arith.constant 0 : i32
      %dma_wait3A_52 = tpu.memref_slice %arg15[%add3A_18, %dma_wait3A_51] : memref<10000x64xf32, #tpu.memory_space<vmem_shared>> -> memref<208x64xf32, #tpu.memory_space<vmem_shared>>
      tpu.wait_dma2 semaphore(%run_scoped3A : memref<!tpu.dma_semaphore, #tpu.memory_space<semaphore_mem>>) src(%arg13 : memref<208x64xf32, #tpu.memory_space<vmem>>) dst(%dma_wait3A_52 : memref<208x64xf32, #tpu.memory_space<vmem_shared>>)
      tpu.yield
    }) : () -> ()
    "tpu.region"() ({
      %run_scoped3A = tpu.sem_alloc : memref<!tpu.dma_semaphore, #tpu.memory_space<semaphore_mem>>
      %dma_start3A = arith.constant 0 : i32
      %dma_start3A_47 = tpu.memref_slice %arg16[%add3A_18, %dma_start3A] : memref<10000x16xf32, #tpu.memory_space<vmem_shared>> -> memref<208x16xf32, #tpu.memory_space<vmem_shared>>
      %dma_start3A_48 = arith.constant 0 : i32
      %dma_start3A_49 = tpu.memref_slice %arg16[%add3A_18, %dma_start3A_48] : memref<10000x16xf32, #tpu.memory_space<vmem_shared>> -> memref<208x16xf32, #tpu.memory_space<vmem_shared>>
      tpu.enqueue_dma source(%arg14 : memref<208x16xf32, #tpu.memory_space<vmem>>) target(%dma_start3A_49 : memref<208x16xf32, #tpu.memory_space<vmem_shared>>) target_semaphore(%run_scoped3A : memref<!tpu.dma_semaphore, #tpu.memory_space<semaphore_mem>>)
      %dma_wait3A = arith.constant 0 : i32
      %dma_wait3A_50 = tpu.memref_slice %arg16[%add3A_18, %dma_wait3A] : memref<10000x16xf32, #tpu.memory_space<vmem_shared>> -> memref<208x16xf32, #tpu.memory_space<vmem_shared>>
      %dma_wait3A_51 = arith.constant 0 : i32
      %dma_wait3A_52 = tpu.memref_slice %arg16[%add3A_18, %dma_wait3A_51] : memref<10000x16xf32, #tpu.memory_space<vmem_shared>> -> memref<208x16xf32, #tpu.memory_space<vmem_shared>>
      tpu.wait_dma2 semaphore(%run_scoped3A : memref<!tpu.dma_semaphore, #tpu.memory_space<semaphore_mem>>) src(%arg14 : memref<208x16xf32, #tpu.memory_space<vmem>>) dst(%dma_wait3A_52 : memref<208x16xf32, #tpu.memory_space<vmem_shared>>)
      tpu.yield
    }) : () -> ()
    %eq3A_19 = arith.constant 15 : i32
    %eq3A_20 = arith.cmpi eq, %arg1, %eq3A_19 : i32
    %convert_element_type3A_21 = arith.extui %eq3A_20 : i1 to i32
    %cond3A_22 = arith.constant 0 : i32
    %cond3A_23 = arith.cmpi ne, %convert_element_type3A_21, %cond3A_22 : i32
    scf.if %cond3A_23 {
      "tpu.region"() ({
        %run_scoped3A = tpu.sem_alloc : memref<!tpu.dma_semaphore, #tpu.memory_space<semaphore_mem>>
        %dma_start3A = arith.constant 0 : i32
        %dma_start3A_47 = arith.constant 0 : i32
        %dma_start3A_48 = tpu.memref_slice %arg13[%dma_start3A, %dma_start3A_47] : memref<208x64xf32, #tpu.memory_space<vmem>> -> memref<16x64xf32, #tpu.memory_space<vmem>>
        %dma_start3A_49 = arith.constant 9984 : i32
        %dma_start3A_50 = arith.constant 0 : i32
        %dma_start3A_51 = tpu.memref_slice %arg15[%dma_start3A_49, %dma_start3A_50] : memref<10000x64xf32, #tpu.memory_space<vmem_shared>> -> memref<16x64xf32, #tpu.memory_space<vmem_shared>>
        %dma_start3A_52 = arith.constant 9984 : i32
        %dma_start3A_53 = arith.constant 0 : i32
        %dma_start3A_54 = tpu.memref_slice %arg15[%dma_start3A_52, %dma_start3A_53] : memref<10000x64xf32, #tpu.memory_space<vmem_shared>> -> memref<16x64xf32, #tpu.memory_space<vmem_shared>>
        %dma_start3A_55 = arith.constant 0 : i32
        %dma_start3A_56 = arith.constant 0 : i32
        %dma_start3A_57 = tpu.memref_slice %arg13[%dma_start3A_55, %dma_start3A_56] : memref<208x64xf32, #tpu.memory_space<vmem>> -> memref<16x64xf32, #tpu.memory_space<vmem>>
        tpu.enqueue_dma source(%dma_start3A_57 : memref<16x64xf32, #tpu.memory_space<vmem>>) target(%dma_start3A_54 : memref<16x64xf32, #tpu.memory_space<vmem_shared>>) target_semaphore(%run_scoped3A : memref<!tpu.dma_semaphore, #tpu.memory_space<semaphore_mem>>)
        %dma_wait3A = arith.constant 0 : i32
        %dma_wait3A_58 = arith.constant 0 : i32
        %dma_wait3A_59 = tpu.memref_slice %arg13[%dma_wait3A, %dma_wait3A_58] : memref<208x64xf32, #tpu.memory_space<vmem>> -> memref<16x64xf32, #tpu.memory_space<vmem>>
        %dma_wait3A_60 = arith.constant 9984 : i32
        %dma_wait3A_61 = arith.constant 0 : i32
        %dma_wait3A_62 = tpu.memref_slice %arg15[%dma_wait3A_60, %dma_wait3A_61] : memref<10000x64xf32, #tpu.memory_space<vmem_shared>> -> memref<16x64xf32, #tpu.memory_space<vmem_shared>>
        %dma_wait3A_63 = arith.constant 9984 : i32
        %dma_wait3A_64 = arith.constant 0 : i32
        %dma_wait3A_65 = tpu.memref_slice %arg15[%dma_wait3A_63, %dma_wait3A_64] : memref<10000x64xf32, #tpu.memory_space<vmem_shared>> -> memref<16x64xf32, #tpu.memory_space<vmem_shared>>
        %dma_wait3A_66 = arith.constant 0 : i32
        %dma_wait3A_67 = arith.constant 0 : i32
        %dma_wait3A_68 = tpu.memref_slice %arg13[%dma_wait3A_66, %dma_wait3A_67] : memref<208x64xf32, #tpu.memory_space<vmem>> -> memref<16x64xf32, #tpu.memory_space<vmem>>
        tpu.wait_dma2 semaphore(%run_scoped3A : memref<!tpu.dma_semaphore, #tpu.memory_space<semaphore_mem>>) src(%dma_wait3A_68 : memref<16x64xf32, #tpu.memory_space<vmem>>) dst(%dma_wait3A_65 : memref<16x64xf32, #tpu.memory_space<vmem_shared>>)
        tpu.yield
      }) : () -> ()
      "tpu.region"() ({
        %run_scoped3A = tpu.sem_alloc : memref<!tpu.dma_semaphore, #tpu.memory_space<semaphore_mem>>
        %dma_start3A = arith.constant 0 : i32
        %dma_start3A_47 = arith.constant 0 : i32
        %dma_start3A_48 = tpu.memref_slice %arg14[%dma_start3A, %dma_start3A_47] : memref<208x16xf32, #tpu.memory_space<vmem>> -> memref<16x16xf32, #tpu.memory_space<vmem>>
        %dma_start3A_49 = arith.constant 9984 : i32
        %dma_start3A_50 = arith.constant 0 : i32
        %dma_start3A_51 = tpu.memref_slice %arg16[%dma_start3A_49, %dma_start3A_50] : memref<10000x16xf32, #tpu.memory_space<vmem_shared>> -> memref<16x16xf32, #tpu.memory_space<vmem_shared>>
        %dma_start3A_52 = arith.constant 9984 : i32
        %dma_start3A_53 = arith.constant 0 : i32
        %dma_start3A_54 = tpu.memref_slice %arg16[%dma_start3A_52, %dma_start3A_53] : memref<10000x16xf32, #tpu.memory_space<vmem_shared>> -> memref<16x16xf32, #tpu.memory_space<vmem_shared>>
        %dma_start3A_55 = arith.constant 0 : i32
        %dma_start3A_56 = arith.constant 0 : i32
        %dma_start3A_57 = tpu.memref_slice %arg14[%dma_start3A_55, %dma_start3A_56] : memref<208x16xf32, #tpu.memory_space<vmem>> -> memref<16x16xf32, #tpu.memory_space<vmem>>
        tpu.enqueue_dma source(%dma_start3A_57 : memref<16x16xf32, #tpu.memory_space<vmem>>) target(%dma_start3A_54 : memref<16x16xf32, #tpu.memory_space<vmem_shared>>) target_semaphore(%run_scoped3A : memref<!tpu.dma_semaphore, #tpu.memory_space<semaphore_mem>>)
        %dma_wait3A = arith.constant 0 : i32
        %dma_wait3A_58 = arith.constant 0 : i32
        %dma_wait3A_59 = tpu.memref_slice %arg14[%dma_wait3A, %dma_wait3A_58] : memref<208x16xf32, #tpu.memory_space<vmem>> -> memref<16x16xf32, #tpu.memory_space<vmem>>
        %dma_wait3A_60 = arith.constant 9984 : i32
        %dma_wait3A_61 = arith.constant 0 : i32
        %dma_wait3A_62 = tpu.memref_slice %arg16[%dma_wait3A_60, %dma_wait3A_61] : memref<10000x16xf32, #tpu.memory_space<vmem_shared>> -> memref<16x16xf32, #tpu.memory_space<vmem_shared>>
        %dma_wait3A_63 = arith.constant 9984 : i32
        %dma_wait3A_64 = arith.constant 0 : i32
        %dma_wait3A_65 = tpu.memref_slice %arg16[%dma_wait3A_63, %dma_wait3A_64] : memref<10000x16xf32, #tpu.memory_space<vmem_shared>> -> memref<16x16xf32, #tpu.memory_space<vmem_shared>>
        %dma_wait3A_66 = arith.constant 0 : i32
        %dma_wait3A_67 = arith.constant 0 : i32
        %dma_wait3A_68 = tpu.memref_slice %arg14[%dma_wait3A_66, %dma_wait3A_67] : memref<208x16xf32, #tpu.memory_space<vmem>> -> memref<16x16xf32, #tpu.memory_space<vmem>>
        tpu.wait_dma2 semaphore(%run_scoped3A : memref<!tpu.dma_semaphore, #tpu.memory_space<semaphore_mem>>) src(%dma_wait3A_68 : memref<16x16xf32, #tpu.memory_space<vmem>>) dst(%dma_wait3A_65 : memref<16x16xf32, #tpu.memory_space<vmem_shared>>)
        tpu.yield
      }) : () -> ()
    } else {
    }
    %barrier3A = arith.constant 0 : index
    tpu.barrier barrier_id(%barrier3A)
    %scan3A_24 = arith.constant 0 : i32
    %scan3A_25 = arith.constant 157 : i32
    %scan3A_26 = arith.addi %scan3A_24, %scan3A_25 : i32
    %scan3A_27 = arith.constant 1 : i32
    scf.for %scan3A_47 = %scan3A_24 to %scan3A_26 step %scan3A_27  : i32 {
      %mul3A_48 = arith.constant 1 : i32
      %mul3A_49 = arith.muli %scan3A_47, %mul3A_48 : i32
      %add3A_50 = arith.constant 0 : i32
      %add3A_51 = arith.addi %add3A_50, %mul3A_49 : i32
      %mul3A_52 = arith.constant 16 : i32
      %mul3A_53 = arith.muli %add3A_51, %mul3A_52 : i32
      %add3A_54 = arith.addi %mul3A_53, %arg1 : i32
      %lt3A = arith.constant 2500 : i32
      %lt3A_55 = arith.cmpi slt, %add3A_54, %lt3A : i32
      %convert_element_type3A_56 = arith.extui %lt3A_55 : i1 to i32
      %cond3A_57 = arith.constant 0 : i32
      %cond3A_58 = arith.cmpi ne, %convert_element_type3A_56, %cond3A_57 : i32
      scf.if %cond3A_58 {
        "tpu.region"() ({
          %run_scoped3A = tpu.sem_alloc : memref<!tpu.dma_semaphore, #tpu.memory_space<semaphore_mem>>
          %dma_start3A_76 = arith.constant 0 : i32
          %dma_start3A_77 = tpu.memref_slice %arg3[%add3A_54, %dma_start3A_76] : memref<2500x128xi32, #tpu.memory_space<hbm>> -> memref<1x128xi32, #tpu.memory_space<hbm>>
          %dma_start3A_78 = tpu.memref_squeeze %dma_start3A_77 : memref<1x128xi32, #tpu.memory_space<hbm>> -> memref<128xi32, #tpu.memory_space<hbm>>
          %dma_start3A_79 = arith.constant 0 : i32
          %dma_start3A_80 = tpu.memref_slice %arg3[%add3A_54, %dma_start3A_79] : memref<2500x128xi32, #tpu.memory_space<hbm>> -> memref<1x128xi32, #tpu.memory_space<hbm>>
          %dma_start3A_81 = tpu.memref_squeeze %dma_start3A_80 : memref<1x128xi32, #tpu.memory_space<hbm>> -> memref<128xi32, #tpu.memory_space<hbm>>
          tpu.enqueue_dma source(%dma_start3A_81 : memref<128xi32, #tpu.memory_space<hbm>>) target(%arg9 : memref<128xi32, #tpu.memory_space<vmem>>) target_semaphore(%run_scoped3A : memref<!tpu.dma_semaphore, #tpu.memory_space<semaphore_mem>>)
          %dma_wait3A_82 = arith.constant 0 : i32
          %dma_wait3A_83 = tpu.memref_slice %arg3[%add3A_54, %dma_wait3A_82] : memref<2500x128xi32, #tpu.memory_space<hbm>> -> memref<1x128xi32, #tpu.memory_space<hbm>>
          %dma_wait3A_84 = tpu.memref_squeeze %dma_wait3A_83 : memref<1x128xi32, #tpu.memory_space<hbm>> -> memref<128xi32, #tpu.memory_space<hbm>>
          %dma_wait3A_85 = arith.constant 0 : i32
          %dma_wait3A_86 = tpu.memref_slice %arg3[%add3A_54, %dma_wait3A_85] : memref<2500x128xi32, #tpu.memory_space<hbm>> -> memref<1x128xi32, #tpu.memory_space<hbm>>
          %dma_wait3A_87 = tpu.memref_squeeze %dma_wait3A_86 : memref<1x128xi32, #tpu.memory_space<hbm>> -> memref<128xi32, #tpu.memory_space<hbm>>
          tpu.wait_dma2 semaphore(%run_scoped3A : memref<!tpu.dma_semaphore, #tpu.memory_space<semaphore_mem>>) src(%dma_wait3A_87 : memref<128xi32, #tpu.memory_space<hbm>>) dst(%arg9 : memref<128xi32, #tpu.memory_space<vmem>>)
          tpu.yield
        }) : () -> ()
        "tpu.region"() ({
          %run_scoped3A = tpu.sem_alloc : memref<!tpu.dma_semaphore, #tpu.memory_space<semaphore_mem>>
          %dma_start3A_76 = arith.constant 0 : i32
          %dma_start3A_77 = tpu.memref_slice %arg4[%add3A_54, %dma_start3A_76] : memref<2500x128xi32, #tpu.memory_space<hbm>> -> memref<1x128xi32, #tpu.memory_space<hbm>>
          %dma_start3A_78 = tpu.memref_squeeze %dma_start3A_77 : memref<1x128xi32, #tpu.memory_space<hbm>> -> memref<128xi32, #tpu.memory_space<hbm>>
          %dma_start3A_79 = arith.constant 0 : i32
          %dma_start3A_80 = tpu.memref_slice %arg4[%add3A_54, %dma_start3A_79] : memref<2500x128xi32, #tpu.memory_space<hbm>> -> memref<1x128xi32, #tpu.memory_space<hbm>>
          %dma_start3A_81 = tpu.memref_squeeze %dma_start3A_80 : memref<1x128xi32, #tpu.memory_space<hbm>> -> memref<128xi32, #tpu.memory_space<hbm>>
          tpu.enqueue_dma source(%dma_start3A_81 : memref<128xi32, #tpu.memory_space<hbm>>) target(%arg10 : memref<128xi32, #tpu.memory_space<vmem>>) target_semaphore(%run_scoped3A : memref<!tpu.dma_semaphore, #tpu.memory_space<semaphore_mem>>)
          %dma_wait3A_82 = arith.constant 0 : i32
          %dma_wait3A_83 = tpu.memref_slice %arg4[%add3A_54, %dma_wait3A_82] : memref<2500x128xi32, #tpu.memory_space<hbm>> -> memref<1x128xi32, #tpu.memory_space<hbm>>
          %dma_wait3A_84 = tpu.memref_squeeze %dma_wait3A_83 : memref<1x128xi32, #tpu.memory_space<hbm>> -> memref<128xi32, #tpu.memory_space<hbm>>
          %dma_wait3A_85 = arith.constant 0 : i32
          %dma_wait3A_86 = tpu.memref_slice %arg4[%add3A_54, %dma_wait3A_85] : memref<2500x128xi32, #tpu.memory_space<hbm>> -> memref<1x128xi32, #tpu.memory_space<hbm>>
          %dma_wait3A_87 = tpu.memref_squeeze %dma_wait3A_86 : memref<1x128xi32, #tpu.memory_space<hbm>> -> memref<128xi32, #tpu.memory_space<hbm>>
          tpu.wait_dma2 semaphore(%run_scoped3A : memref<!tpu.dma_semaphore, #tpu.memory_space<semaphore_mem>>) src(%dma_wait3A_87 : memref<128xi32, #tpu.memory_space<hbm>>) dst(%arg10 : memref<128xi32, #tpu.memory_space<vmem>>)
          tpu.yield
        }) : () -> ()
        %eq3A_59 = arith.constant 0 : i32
        %eq3A_60 = arith.cmpi eq, %arg0, %eq3A_59 : i32
        %convert_element_type3A_61 = arith.extui %eq3A_60 : i1 to i32
        %cond3A_62 = arith.constant 0 : i32
        %cond3A_63 = arith.cmpi ne, %convert_element_type3A_61, %cond3A_62 : i32
        scf.if %cond3A_63 {
          %mul3A_76 = arith.constant 128 : i32
          %mul3A_77 = arith.muli %add3A_54, %mul3A_76 : i32
          "tpu.region"() ({
            %run_scoped3A = tpu.sem_alloc : memref<!tpu.dma_semaphore, #tpu.memory_space<semaphore_mem>>
            %dma_start3A_78 = arith.constant 0 : i32
            %dma_start3A_79 = tpu.memref_slice %arg5[%mul3A_77, %dma_start3A_78] : memref<320000x16xf32, #tpu.memory_space<hbm>> -> memref<128x16xf32, #tpu.memory_space<hbm>>
            %dma_start3A_80 = arith.constant 0 : i32
            %dma_start3A_81 = tpu.memref_slice %arg5[%mul3A_77, %dma_start3A_80] : memref<320000x16xf32, #tpu.memory_space<hbm>> -> memref<128x16xf32, #tpu.memory_space<hbm>>
            tpu.enqueue_dma source(%dma_start3A_81 : memref<128x16xf32, #tpu.memory_space<hbm>>) target(%arg12 : memref<128x16xf32, #tpu.memory_space<vmem>>) target_semaphore(%run_scoped3A : memref<!tpu.dma_semaphore, #tpu.memory_space<semaphore_mem>>)
            %dma_wait3A_82 = arith.constant 0 : i32
            %dma_wait3A_83 = tpu.memref_slice %arg5[%mul3A_77, %dma_wait3A_82] : memref<320000x16xf32, #tpu.memory_space<hbm>> -> memref<128x16xf32, #tpu.memory_space<hbm>>
            %dma_wait3A_84 = arith.constant 0 : i32
            %dma_wait3A_85 = tpu.memref_slice %arg5[%mul3A_77, %dma_wait3A_84] : memref<320000x16xf32, #tpu.memory_space<hbm>> -> memref<128x16xf32, #tpu.memory_space<hbm>>
            tpu.wait_dma2 semaphore(%run_scoped3A : memref<!tpu.dma_semaphore, #tpu.memory_space<semaphore_mem>>) src(%dma_wait3A_85 : memref<128x16xf32, #tpu.memory_space<hbm>>) dst(%arg12 : memref<128x16xf32, #tpu.memory_space<vmem>>)
            tpu.yield
          }) : () -> ()
        } else {
        }
        %dma_start3A = arith.constant 0 : i32
        %dma_start3A_64 = arith.constant 0 : i32
        %dma_start3A_65 = tpu.memref_slice %arg2[%arg0, %dma_start3A, %dma_start3A_64] : memref<2x10000x64xf32, #tpu.memory_space<hbm>> -> memref<1x10000x64xf32, #tpu.memory_space<hbm>>
        %dma_start3A_66 = tpu.memref_squeeze %dma_start3A_65 : memref<1x10000x64xf32, #tpu.memory_space<hbm>> -> memref<10000x64xf32, #tpu.memory_space<hbm>>
        %dma_start3A_67 = arith.constant 0 : i32
        %dma_start3A_68 = arith.constant 0 : i32
        %dma_start3A_69 = tpu.memref_slice %dma_start3A_66[%dma_start3A_67, %dma_start3A_68] : memref<10000x64xf32, #tpu.memory_space<hbm>> -> memref<10000x64xf32, #tpu.memory_space<hbm>>
        tpu.enqueue_indirect_dma source(%dma_start3A_69 : memref<10000x64xf32, #tpu.memory_space<hbm>>) target(%arg11 : memref<128x64xf32, #tpu.memory_space<vmem>>) offsets(%arg9 : memref<128xi32, #tpu.memory_space<vmem>>) semaphore(%arg17 : memref<!tpu.dma_semaphore, #tpu.memory_space<semaphore_mem>>)
        %dma_wait3A = arith.constant 0 : i32
        %dma_wait3A_70 = arith.constant 0 : i32
        %dma_wait3A_71 = tpu.memref_slice %arg2[%arg0, %dma_wait3A, %dma_wait3A_70] : memref<2x10000x64xf32, #tpu.memory_space<hbm>> -> memref<1x10000x64xf32, #tpu.memory_space<hbm>>
        %dma_wait3A_72 = tpu.memref_squeeze %dma_wait3A_71 : memref<1x10000x64xf32, #tpu.memory_space<hbm>> -> memref<10000x64xf32, #tpu.memory_space<hbm>>
        %dma_wait3A_73 = arith.constant 0 : i32
        %dma_wait3A_74 = arith.constant 0 : i32
        %dma_wait3A_75 = tpu.memref_slice %dma_wait3A_72[%dma_wait3A_73, %dma_wait3A_74] : memref<10000x64xf32, #tpu.memory_space<hbm>> -> memref<10000x64xf32, #tpu.memory_space<hbm>>
        tpu.wait_indirect_dma semaphore(%arg17 : memref<!tpu.dma_semaphore, #tpu.memory_space<semaphore_mem>>) src(%dma_wait3A_75 : memref<10000x64xf32, #tpu.memory_space<hbm>>) dst(%arg11 : memref<128x64xf32, #tpu.memory_space<vmem>>)
        "tpu.region"() ({
          %run_scoped3A = tpu.sem_alloc : memref<!tpu.dma_semaphore, #tpu.memory_space<semaphore_mem>>
          %dma_start3A_76 = arith.constant 0 : i32
          %dma_start3A_77 = arith.constant 0 : i32
          %dma_start3A_78 = tpu.memref_slice %arg15[%dma_start3A_76, %dma_start3A_77] : memref<10000x64xf32, #tpu.memory_space<vmem_shared>> -> memref<10000x64xf32, #tpu.memory_space<vmem_shared>>
          tpu.enqueue_indirect_dma source(%arg11 : memref<128x64xf32, #tpu.memory_space<vmem>>) target(%dma_start3A_78 : memref<10000x64xf32, #tpu.memory_space<vmem_shared>>) offsets(%arg10 : memref<128xi32, #tpu.memory_space<vmem>>) semaphore(%run_scoped3A : memref<!tpu.dma_semaphore, #tpu.memory_space<semaphore_mem>>) {add = true}
          %dma_wait3A_79 = arith.constant 0 : i32
          %dma_wait3A_80 = arith.constant 0 : i32
          %dma_wait3A_81 = tpu.memref_slice %arg15[%dma_wait3A_79, %dma_wait3A_80] : memref<10000x64xf32, #tpu.memory_space<vmem_shared>> -> memref<10000x64xf32, #tpu.memory_space<vmem_shared>>
          tpu.wait_indirect_dma semaphore(%run_scoped3A : memref<!tpu.dma_semaphore, #tpu.memory_space<semaphore_mem>>) src(%arg11 : memref<128x64xf32, #tpu.memory_space<vmem>>) dst(%dma_wait3A_81 : memref<10000x64xf32, #tpu.memory_space<vmem_shared>>)
          tpu.yield
        }) : () -> ()
        "tpu.region"() ({
          %run_scoped3A = tpu.sem_alloc : memref<!tpu.dma_semaphore, #tpu.memory_space<semaphore_mem>>
          %dma_start3A_76 = arith.constant 0 : i32
          %dma_start3A_77 = arith.constant 0 : i32
          %dma_start3A_78 = tpu.memref_slice %arg16[%dma_start3A_76, %dma_start3A_77] : memref<10000x16xf32, #tpu.memory_space<vmem_shared>> -> memref<10000x16xf32, #tpu.memory_space<vmem_shared>>
          tpu.enqueue_indirect_dma source(%arg12 : memref<128x16xf32, #tpu.memory_space<vmem>>) target(%dma_start3A_78 : memref<10000x16xf32, #tpu.memory_space<vmem_shared>>) offsets(%arg10 : memref<128xi32, #tpu.memory_space<vmem>>) semaphore(%run_scoped3A : memref<!tpu.dma_semaphore, #tpu.memory_space<semaphore_mem>>) {add = true}
          %dma_wait3A_79 = arith.constant 0 : i32
          %dma_wait3A_80 = arith.constant 0 : i32
          %dma_wait3A_81 = tpu.memref_slice %arg16[%dma_wait3A_79, %dma_wait3A_80] : memref<10000x16xf32, #tpu.memory_space<vmem_shared>> -> memref<10000x16xf32, #tpu.memory_space<vmem_shared>>
          tpu.wait_indirect_dma semaphore(%run_scoped3A : memref<!tpu.dma_semaphore, #tpu.memory_space<semaphore_mem>>) src(%arg12 : memref<128x16xf32, #tpu.memory_space<vmem>>) dst(%dma_wait3A_81 : memref<10000x16xf32, #tpu.memory_space<vmem_shared>>)
          tpu.yield
        }) : () -> ()
      } else {
      }
    }
    %scan3A_28 = arith.constant 157 : i32
    %barrier3A_29 = arith.constant 0 : index
    tpu.barrier barrier_id(%barrier3A_29)
    %mul3A_30 = arith.constant 624 : i32
    %mul3A_31 = arith.muli %arg1, %mul3A_30 : i32
    "tpu.region"() ({
      %run_scoped3A = tpu.sem_alloc : memref<!tpu.dma_semaphore, #tpu.memory_space<semaphore_mem>>
      %dma_start3A = arith.constant 0 : i32
      %dma_start3A_47 = arith.constant 0 : i32
      %dma_start3A_48 = tpu.memref_slice %arg6[%arg0, %dma_start3A, %dma_start3A_47] : memref<2x10000x64xf32, #tpu.memory_space<hbm>> -> memref<1x10000x64xf32, #tpu.memory_space<hbm>>
      %dma_start3A_49 = tpu.memref_squeeze %dma_start3A_48 : memref<1x10000x64xf32, #tpu.memory_space<hbm>> -> memref<10000x64xf32, #tpu.memory_space<hbm>>
      %dma_start3A_50 = arith.constant 0 : i32
      %dma_start3A_51 = tpu.memref_slice %dma_start3A_49[%mul3A_31, %dma_start3A_50] : memref<10000x64xf32, #tpu.memory_space<hbm>> -> memref<624x64xf32, #tpu.memory_space<hbm>>
      %dma_start3A_52 = arith.constant 0 : i32
      %dma_start3A_53 = tpu.memref_slice %arg15[%mul3A_31, %dma_start3A_52] : memref<10000x64xf32, #tpu.memory_space<vmem_shared>> -> memref<624x64xf32, #tpu.memory_space<vmem_shared>>
      tpu.enqueue_dma source(%dma_start3A_53 : memref<624x64xf32, #tpu.memory_space<vmem_shared>>) target(%dma_start3A_51 : memref<624x64xf32, #tpu.memory_space<hbm>>) target_semaphore(%run_scoped3A : memref<!tpu.dma_semaphore, #tpu.memory_space<semaphore_mem>>)
      %dma_wait3A = arith.constant 0 : i32
      %dma_wait3A_54 = arith.constant 0 : i32
      %dma_wait3A_55 = tpu.memref_slice %arg6[%arg0, %dma_wait3A, %dma_wait3A_54] : memref<2x10000x64xf32, #tpu.memory_space<hbm>> -> memref<1x10000x64xf32, #tpu.memory_space<hbm>>
      %dma_wait3A_56 = tpu.memref_squeeze %dma_wait3A_55 : memref<1x10000x64xf32, #tpu.memory_space<hbm>> -> memref<10000x64xf32, #tpu.memory_space<hbm>>
      %dma_wait3A_57 = arith.constant 0 : i32
      %dma_wait3A_58 = tpu.memref_slice %dma_wait3A_56[%mul3A_31, %dma_wait3A_57] : memref<10000x64xf32, #tpu.memory_space<hbm>> -> memref<624x64xf32, #tpu.memory_space<hbm>>
      %dma_wait3A_59 = arith.constant 0 : i32
      %dma_wait3A_60 = tpu.memref_slice %arg15[%mul3A_31, %dma_wait3A_59] : memref<10000x64xf32, #tpu.memory_space<vmem_shared>> -> memref<624x64xf32, #tpu.memory_space<vmem_shared>>
      tpu.wait_dma2 semaphore(%run_scoped3A : memref<!tpu.dma_semaphore, #tpu.memory_space<semaphore_mem>>) src(%dma_wait3A_60 : memref<624x64xf32, #tpu.memory_space<vmem_shared>>) dst(%dma_wait3A_58 : memref<624x64xf32, #tpu.memory_space<hbm>>)
      tpu.yield
    }) : () -> ()
    %eq3A_32 = arith.constant 0 : i32
    %eq3A_33 = arith.cmpi eq, %arg0, %eq3A_32 : i32
    %convert_element_type3A_34 = arith.extui %eq3A_33 : i1 to i32
    %cond3A_35 = arith.constant 0 : i32
    %cond3A_36 = arith.cmpi ne, %convert_element_type3A_34, %cond3A_35 : i32
    scf.if %cond3A_36 {
      "tpu.region"() ({
        %run_scoped3A = tpu.sem_alloc : memref<!tpu.dma_semaphore, #tpu.memory_space<semaphore_mem>>
        %dma_start3A = arith.constant 0 : i32
        %dma_start3A_47 = tpu.memref_slice %arg7[%mul3A_31, %dma_start3A] : memref<10000x16xf32, #tpu.memory_space<hbm>> -> memref<624x16xf32, #tpu.memory_space<hbm>>
        %dma_start3A_48 = arith.constant 0 : i32
        %dma_start3A_49 = tpu.memref_slice %arg16[%mul3A_31, %dma_start3A_48] : memref<10000x16xf32, #tpu.memory_space<vmem_shared>> -> memref<624x16xf32, #tpu.memory_space<vmem_shared>>
        tpu.enqueue_dma source(%dma_start3A_49 : memref<624x16xf32, #tpu.memory_space<vmem_shared>>) target(%dma_start3A_47 : memref<624x16xf32, #tpu.memory_space<hbm>>) target_semaphore(%run_scoped3A : memref<!tpu.dma_semaphore, #tpu.memory_space<semaphore_mem>>)
        %dma_wait3A = arith.constant 0 : i32
        %dma_wait3A_50 = tpu.memref_slice %arg7[%mul3A_31, %dma_wait3A] : memref<10000x16xf32, #tpu.memory_space<hbm>> -> memref<624x16xf32, #tpu.memory_space<hbm>>
        %dma_wait3A_51 = arith.constant 0 : i32
        %dma_wait3A_52 = tpu.memref_slice %arg16[%mul3A_31, %dma_wait3A_51] : memref<10000x16xf32, #tpu.memory_space<vmem_shared>> -> memref<624x16xf32, #tpu.memory_space<vmem_shared>>
        tpu.wait_dma2 semaphore(%run_scoped3A : memref<!tpu.dma_semaphore, #tpu.memory_space<semaphore_mem>>) src(%dma_wait3A_52 : memref<624x16xf32, #tpu.memory_space<vmem_shared>>) dst(%dma_wait3A_50 : memref<624x16xf32, #tpu.memory_space<hbm>>)
        tpu.yield
      }) : () -> ()
    } else {
    }
    %eq3A_37 = arith.constant 1 : i32
    %eq3A_38 = arith.cmpi eq, %arg0, %eq3A_37 : i32
    %convert_element_type3A_39 = arith.extui %eq3A_38 : i1 to i32
    %cond3A_40 = arith.constant 0 : i32
    %cond3A_41 = arith.cmpi ne, %convert_element_type3A_39, %cond3A_40 : i32
    scf.if %cond3A_41 {
      "tpu.region"() ({
        %run_scoped3A = tpu.sem_alloc : memref<!tpu.dma_semaphore, #tpu.memory_space<semaphore_mem>>
        %dma_start3A = arith.constant 0 : i32
        %dma_start3A_47 = tpu.memref_slice %arg8[%mul3A_31, %dma_start3A] : memref<10000x16xf32, #tpu.memory_space<hbm>> -> memref<624x16xf32, #tpu.memory_space<hbm>>
        %dma_start3A_48 = arith.constant 0 : i32
        %dma_start3A_49 = tpu.memref_slice %arg16[%mul3A_31, %dma_start3A_48] : memref<10000x16xf32, #tpu.memory_space<vmem_shared>> -> memref<624x16xf32, #tpu.memory_space<vmem_shared>>
        tpu.enqueue_dma source(%dma_start3A_49 : memref<624x16xf32, #tpu.memory_space<vmem_shared>>) target(%dma_start3A_47 : memref<624x16xf32, #tpu.memory_space<hbm>>) target_semaphore(%run_scoped3A : memref<!tpu.dma_semaphore, #tpu.memory_space<semaphore_mem>>)
        %dma_wait3A = arith.constant 0 : i32
        %dma_wait3A_50 = tpu.memref_slice %arg8[%mul3A_31, %dma_wait3A] : memref<10000x16xf32, #tpu.memory_space<hbm>> -> memref<624x16xf32, #tpu.memory_space<hbm>>
        %dma_wait3A_51 = arith.constant 0 : i32
        %dma_wait3A_52 = tpu.memref_slice %arg16[%mul3A_31, %dma_wait3A_51] : memref<10000x16xf32, #tpu.memory_space<vmem_shared>> -> memref<624x16xf32, #tpu.memory_space<vmem_shared>>
        tpu.wait_dma2 semaphore(%run_scoped3A : memref<!tpu.dma_semaphore, #tpu.memory_space<semaphore_mem>>) src(%dma_wait3A_52 : memref<624x16xf32, #tpu.memory_space<vmem_shared>>) dst(%dma_wait3A_50 : memref<624x16xf32, #tpu.memory_space<hbm>>)
        tpu.yield
      }) : () -> ()
    } else {
    }
    %eq3A_42 = arith.constant 15 : i32
    %eq3A_43 = arith.cmpi eq, %arg1, %eq3A_42 : i32
    %convert_element_type3A_44 = arith.extui %eq3A_43 : i1 to i32
    %cond3A_45 = arith.constant 0 : i32
    %cond3A_46 = arith.cmpi ne, %convert_element_type3A_44, %cond3A_45 : i32
    scf.if %cond3A_46 {
      "tpu.region"() ({
        %run_scoped3A = tpu.sem_alloc : memref<!tpu.dma_semaphore, #tpu.memory_space<semaphore_mem>>
        %dma_start3A = arith.constant 0 : i32
        %dma_start3A_57 = arith.constant 0 : i32
        %dma_start3A_58 = tpu.memref_slice %arg6[%arg0, %dma_start3A, %dma_start3A_57] : memref<2x10000x64xf32, #tpu.memory_space<hbm>> -> memref<1x10000x64xf32, #tpu.memory_space<hbm>>
        %dma_start3A_59 = tpu.memref_squeeze %dma_start3A_58 : memref<1x10000x64xf32, #tpu.memory_space<hbm>> -> memref<10000x64xf32, #tpu.memory_space<hbm>>
        %dma_start3A_60 = arith.constant 9984 : i32
        %dma_start3A_61 = arith.constant 0 : i32
        %dma_start3A_62 = tpu.memref_slice %dma_start3A_59[%dma_start3A_60, %dma_start3A_61] : memref<10000x64xf32, #tpu.memory_space<hbm>> -> memref<16x64xf32, #tpu.memory_space<hbm>>
        %dma_start3A_63 = arith.constant 9984 : i32
        %dma_start3A_64 = arith.constant 0 : i32
        %dma_start3A_65 = tpu.memref_slice %arg15[%dma_start3A_63, %dma_start3A_64] : memref<10000x64xf32, #tpu.memory_space<vmem_shared>> -> memref<16x64xf32, #tpu.memory_space<vmem_shared>>
        tpu.enqueue_dma source(%dma_start3A_65 : memref<16x64xf32, #tpu.memory_space<vmem_shared>>) target(%dma_start3A_62 : memref<16x64xf32, #tpu.memory_space<hbm>>) target_semaphore(%run_scoped3A : memref<!tpu.dma_semaphore, #tpu.memory_space<semaphore_mem>>)
        %dma_wait3A = arith.constant 0 : i32
        %dma_wait3A_66 = arith.constant 0 : i32
        %dma_wait3A_67 = tpu.memref_slice %arg6[%arg0, %dma_wait3A, %dma_wait3A_66] : memref<2x10000x64xf32, #tpu.memory_space<hbm>> -> memref<1x10000x64xf32, #tpu.memory_space<hbm>>
        %dma_wait3A_68 = tpu.memref_squeeze %dma_wait3A_67 : memref<1x10000x64xf32, #tpu.memory_space<hbm>> -> memref<10000x64xf32, #tpu.memory_space<hbm>>
        %dma_wait3A_69 = arith.constant 9984 : i32
        %dma_wait3A_70 = arith.constant 0 : i32
        %dma_wait3A_71 = tpu.memref_slice %dma_wait3A_68[%dma_wait3A_69, %dma_wait3A_70] : memref<10000x64xf32, #tpu.memory_space<hbm>> -> memref<16x64xf32, #tpu.memory_space<hbm>>
        %dma_wait3A_72 = arith.constant 9984 : i32
        %dma_wait3A_73 = arith.constant 0 : i32
        %dma_wait3A_74 = tpu.memref_slice %arg15[%dma_wait3A_72, %dma_wait3A_73] : memref<10000x64xf32, #tpu.memory_space<vmem_shared>> -> memref<16x64xf32, #tpu.memory_space<vmem_shared>>
        tpu.wait_dma2 semaphore(%run_scoped3A : memref<!tpu.dma_semaphore, #tpu.memory_space<semaphore_mem>>) src(%dma_wait3A_74 : memref<16x64xf32, #tpu.memory_space<vmem_shared>>) dst(%dma_wait3A_71 : memref<16x64xf32, #tpu.memory_space<hbm>>)
        tpu.yield
      }) : () -> ()
      %eq3A_47 = arith.constant 0 : i32
      %eq3A_48 = arith.cmpi eq, %arg0, %eq3A_47 : i32
      %convert_element_type3A_49 = arith.extui %eq3A_48 : i1 to i32
      %cond3A_50 = arith.constant 0 : i32
      %cond3A_51 = arith.cmpi ne, %convert_element_type3A_49, %cond3A_50 : i32
      scf.if %cond3A_51 {
        "tpu.region"() ({
          %run_scoped3A = tpu.sem_alloc : memref<!tpu.dma_semaphore, #tpu.memory_space<semaphore_mem>>
          %dma_start3A = arith.constant 9984 : i32
          %dma_start3A_57 = arith.constant 0 : i32
          %dma_start3A_58 = tpu.memref_slice %arg7[%dma_start3A, %dma_start3A_57] : memref<10000x16xf32, #tpu.memory_space<hbm>> -> memref<16x16xf32, #tpu.memory_space<hbm>>
          %dma_start3A_59 = arith.constant 9984 : i32
          %dma_start3A_60 = arith.constant 0 : i32
          %dma_start3A_61 = tpu.memref_slice %arg16[%dma_start3A_59, %dma_start3A_60] : memref<10000x16xf32, #tpu.memory_space<vmem_shared>> -> memref<16x16xf32, #tpu.memory_space<vmem_shared>>
          tpu.enqueue_dma source(%dma_start3A_61 : memref<16x16xf32, #tpu.memory_space<vmem_shared>>) target(%dma_start3A_58 : memref<16x16xf32, #tpu.memory_space<hbm>>) target_semaphore(%run_scoped3A : memref<!tpu.dma_semaphore, #tpu.memory_space<semaphore_mem>>)
          %dma_wait3A = arith.constant 9984 : i32
          %dma_wait3A_62 = arith.constant 0 : i32
          %dma_wait3A_63 = tpu.memref_slice %arg7[%dma_wait3A, %dma_wait3A_62] : memref<10000x16xf32, #tpu.memory_space<hbm>> -> memref<16x16xf32, #tpu.memory_space<hbm>>
          %dma_wait3A_64 = arith.constant 9984 : i32
          %dma_wait3A_65 = arith.constant 0 : i32
          %dma_wait3A_66 = tpu.memref_slice %arg16[%dma_wait3A_64, %dma_wait3A_65] : memref<10000x16xf32, #tpu.memory_space<vmem_shared>> -> memref<16x16xf32, #tpu.memory_space<vmem_shared>>
          tpu.wait_dma2 semaphore(%run_scoped3A : memref<!tpu.dma_semaphore, #tpu.memory_space<semaphore_mem>>) src(%dma_wait3A_66 : memref<16x16xf32, #tpu.memory_space<vmem_shared>>) dst(%dma_wait3A_63 : memref<16x16xf32, #tpu.memory_space<hbm>>)
          tpu.yield
        }) : () -> ()
      } else {
      }
      %eq3A_52 = arith.constant 1 : i32
      %eq3A_53 = arith.cmpi eq, %arg0, %eq3A_52 : i32
      %convert_element_type3A_54 = arith.extui %eq3A_53 : i1 to i32
      %cond3A_55 = arith.constant 0 : i32
      %cond3A_56 = arith.cmpi ne, %convert_element_type3A_54, %cond3A_55 : i32
      scf.if %cond3A_56 {
        "tpu.region"() ({
          %run_scoped3A = tpu.sem_alloc : memref<!tpu.dma_semaphore, #tpu.memory_space<semaphore_mem>>
          %dma_start3A = arith.constant 9984 : i32
          %dma_start3A_57 = arith.constant 0 : i32
          %dma_start3A_58 = tpu.memref_slice %arg8[%dma_start3A, %dma_start3A_57] : memref<10000x16xf32, #tpu.memory_space<hbm>> -> memref<16x16xf32, #tpu.memory_space<hbm>>
          %dma_start3A_59 = arith.constant 9984 : i32
          %dma_start3A_60 = arith.constant 0 : i32
          %dma_start3A_61 = tpu.memref_slice %arg16[%dma_start3A_59, %dma_start3A_60] : memref<10000x16xf32, #tpu.memory_space<vmem_shared>> -> memref<16x16xf32, #tpu.memory_space<vmem_shared>>
          tpu.enqueue_dma source(%dma_start3A_61 : memref<16x16xf32, #tpu.memory_space<vmem_shared>>) target(%dma_start3A_58 : memref<16x16xf32, #tpu.memory_space<hbm>>) target_semaphore(%run_scoped3A : memref<!tpu.dma_semaphore, #tpu.memory_space<semaphore_mem>>)
          %dma_wait3A = arith.constant 9984 : i32
          %dma_wait3A_62 = arith.constant 0 : i32
          %dma_wait3A_63 = tpu.memref_slice %arg8[%dma_wait3A, %dma_wait3A_62] : memref<10000x16xf32, #tpu.memory_space<hbm>> -> memref<16x16xf32, #tpu.memory_space<hbm>>
          %dma_wait3A_64 = arith.constant 9984 : i32
          %dma_wait3A_65 = arith.constant 0 : i32
          %dma_wait3A_66 = tpu.memref_slice %arg16[%dma_wait3A_64, %dma_wait3A_65] : memref<10000x16xf32, #tpu.memory_space<vmem_shared>> -> memref<16x16xf32, #tpu.memory_space<vmem_shared>>
          tpu.wait_dma2 semaphore(%run_scoped3A : memref<!tpu.dma_semaphore, #tpu.memory_space<semaphore_mem>>) src(%dma_wait3A_66 : memref<16x16xf32, #tpu.memory_space<vmem_shared>>) dst(%dma_wait3A_63 : memref<16x16xf32, #tpu.memory_space<hbm>>)
          tpu.yield
        }) : () -> ()
      } else {
      }
    } else {
    }
    return
  }
}

module attributes {stable_mosaic.version = 14 : i64} {
  func.func @body(%arg0: memref<2x10000x64xf32, #tpu.memory_space<vmem>>, %arg1: memref<10000x16xf32, #tpu.memory_space<vmem>>, %arg2: memref<10000x16xf32, #tpu.memory_space<vmem>>, %arg3: memref<10000x128xf32, #tpu.memory_space<vmem>>, %arg4: memref<16x128xf32, #tpu.memory_space<vmem>>, %arg5: memref<1x128xf32, #tpu.memory_space<vmem>>, %arg6: memref<128x128xf32, #tpu.memory_space<vmem>>, %arg7: memref<1x128xf32, #tpu.memory_space<vmem>>, %arg8: memref<128x128xf32, #tpu.memory_space<vmem>>, %arg9: memref<1x128xf32, #tpu.memory_space<vmem>>, %arg10: memref<1x128xf32, #tpu.memory_space<vmem>>, %arg11: memref<1x128xf32, #tpu.memory_space<vmem>>, %arg12: memref<1x128xf32, #tpu.memory_space<vmem>>, %arg13: memref<1x128xf32, #tpu.memory_space<vmem>>, %arg14: memref<10000x128xf32, #tpu.memory_space<vmem>>) attributes {dimension_semantics = [], scalar_prefetch = 0 : i64, scratch_operands = 0 : i64, tpu.core_type = #tpu.core_type<tc>} {
    %get3A = arith.constant 0 : index
    %get3A_0 = arith.constant 0 : index
    %get3A_1 = arith.constant 0 : index
    %get3A_2 = vector.load %arg0[%get3A, %get3A_0, %get3A_1] : memref<2x10000x64xf32, #tpu.memory_space<vmem>>, vector<1x10000x64xf32>
    %get3A_3 = vector.shape_cast %get3A_2 : vector<1x10000x64xf32> to vector<10000x64xf32>
    %get3A_4 = arith.constant 1 : index
    %get3A_5 = arith.constant 0 : index
    %get3A_6 = arith.constant 0 : index
    %get3A_7 = vector.load %arg0[%get3A_4, %get3A_5, %get3A_6] : memref<2x10000x64xf32, #tpu.memory_space<vmem>>, vector<1x10000x64xf32>
    %get3A_8 = vector.shape_cast %get3A_7 : vector<1x10000x64xf32> to vector<10000x64xf32>
    %concatenate3A = tpu.concatenate %get3A_3, %get3A_8 in 1 : vector<10000x64xf32>, vector<10000x64xf32> -> vector<10000x128xf32>
    %get3A_9 = arith.constant 0 : index
    %get3A_10 = arith.constant 0 : index
    %get3A_11 = vector.load %arg2[%get3A_9, %get3A_10] : memref<10000x16xf32, #tpu.memory_space<vmem>>, vector<10000x1xf32>
    %get3A_12 = arith.constant 0 : index
    %get3A_13 = arith.constant 0 : index
    %get3A_14 = vector.load %arg1[%get3A_12, %get3A_13] : memref<10000x16xf32, #tpu.memory_space<vmem>>, vector<10000x16xf32>
    %get3A_15 = arith.constant 0 : index
    %get3A_16 = arith.constant 0 : index
    %get3A_17 = vector.load %arg4[%get3A_15, %get3A_16] : memref<16x128xf32, #tpu.memory_space<vmem>>, vector<16x128xf32>
    %dot_general3A = arith.constant dense<0.000000e+00> : vector<10000x128xf32>
    %dot_general3A_18 = tpu.matmul %get3A_14, %get3A_17, %dot_general3A {dimension_numbers = #tpu.dot_dimension_numbers<[1], [0], [0], [1], [0, 0, 1, 1], [], []>, transpose_lhs_hint = false} : vector<10000x16xf32>, vector<16x128xf32>, vector<10000x128xf32> -> vector<10000x128xf32>
    %get3A_19 = arith.constant 0 : index
    %get3A_20 = arith.constant 0 : index
    %get3A_21 = vector.load %arg5[%get3A_19, %get3A_20] : memref<1x128xf32, #tpu.memory_space<vmem>>, vector<1x128xf32>
    %mul3A = vector.broadcast %get3A_11 : vector<10000x1xf32> to vector<10000x128xf32>
    %mul3A_22 = vector.broadcast %get3A_21 : vector<1x128xf32> to vector<10000x128xf32>
    %mul3A_23 = arith.mulf %mul3A, %mul3A_22 : vector<10000x128xf32>
    %add3A = arith.addf %dot_general3A_18, %mul3A_23 : vector<10000x128xf32>
    %get3A_24 = arith.constant 0 : index
    %get3A_25 = arith.constant 0 : index
    %get3A_26 = vector.load %arg6[%get3A_24, %get3A_25] : memref<128x128xf32, #tpu.memory_space<vmem>>, vector<128x128xf32>
    %dot_general3A_27 = arith.constant dense<0.000000e+00> : vector<10000x128xf32>
    %dot_general3A_28 = tpu.matmul %concatenate3A, %get3A_26, %dot_general3A_27 {dimension_numbers = #tpu.dot_dimension_numbers<[1], [0], [0], [1], [0, 0, 1, 1], [], []>, transpose_lhs_hint = false} : vector<10000x128xf32>, vector<128x128xf32>, vector<10000x128xf32> -> vector<10000x128xf32>
    %get3A_29 = arith.constant 0 : index
    %get3A_30 = arith.constant 0 : index
    %get3A_31 = vector.load %arg7[%get3A_29, %get3A_30] : memref<1x128xf32, #tpu.memory_space<vmem>>, vector<1x128xf32>
    %add3A_32 = vector.broadcast %get3A_31 : vector<1x128xf32> to vector<10000x128xf32>
    %add3A_33 = arith.addf %dot_general3A_28, %add3A_32 : vector<10000x128xf32>
    %add3A_34 = arith.addf %add3A_33, %add3A : vector<10000x128xf32>
    %reduce_sum3A = arith.constant dense<0.000000e+00> : vector<128xf32>
    %reduce_sum3A_35 = vector.multi_reduction <add>, %add3A_34, %reduce_sum3A [0] : vector<10000x128xf32> to vector<128xf32>
    %broadcast_in_dim3A = vector.shape_cast %reduce_sum3A_35 : vector<128xf32> to vector<1x128xf32>
    %div3A = arith.constant 1.000000e+04 : f32
    %div3A_36 = vector.broadcast %div3A : f32 to vector<1x128xf32>
    %div3A_37 = arith.divf %broadcast_in_dim3A, %div3A_36 : vector<1x128xf32>
    %square3A = arith.mulf %add3A_34, %add3A_34 : vector<10000x128xf32>
    %reduce_sum3A_38 = arith.constant dense<0.000000e+00> : vector<128xf32>
    %reduce_sum3A_39 = vector.multi_reduction <add>, %square3A, %reduce_sum3A_38 [0] : vector<10000x128xf32> to vector<128xf32>
    %broadcast_in_dim3A_40 = vector.shape_cast %reduce_sum3A_39 : vector<128xf32> to vector<1x128xf32>
    %div3A_41 = arith.constant 1.000000e+04 : f32
    %div3A_42 = vector.broadcast %div3A_41 : f32 to vector<1x128xf32>
    %div3A_43 = arith.divf %broadcast_in_dim3A_40, %div3A_42 : vector<1x128xf32>
    %square3A_44 = arith.mulf %div3A_37, %div3A_37 : vector<1x128xf32>
    %sub3A = arith.subf %div3A_43, %square3A_44 : vector<1x128xf32>
    %sub3A_45 = vector.broadcast %div3A_37 : vector<1x128xf32> to vector<10000x128xf32>
    %sub3A_46 = arith.subf %add3A_34, %sub3A_45 : vector<10000x128xf32>
    %add3A_47 = arith.constant 9.99999974E-6 : f32
    %add3A_48 = vector.broadcast %add3A_47 : f32 to vector<1x128xf32>
    %add3A_49 = arith.addf %sub3A, %add3A_48 : vector<1x128xf32>
    %rsqrt3A = math.rsqrt %add3A_49 : vector<1x128xf32>
    %mul3A_50 = vector.broadcast %rsqrt3A : vector<1x128xf32> to vector<10000x128xf32>
    %mul3A_51 = arith.mulf %sub3A_46, %mul3A_50 : vector<10000x128xf32>
    %get3A_52 = arith.constant 0 : index
    %get3A_53 = arith.constant 0 : index
    %get3A_54 = vector.load %arg10[%get3A_52, %get3A_53] : memref<1x128xf32, #tpu.memory_space<vmem>>, vector<1x128xf32>
    %mul3A_55 = vector.broadcast %get3A_54 : vector<1x128xf32> to vector<10000x128xf32>
    %mul3A_56 = arith.mulf %mul3A_51, %mul3A_55 : vector<10000x128xf32>
    %get3A_57 = arith.constant 0 : index
    %get3A_58 = arith.constant 0 : index
    %get3A_59 = vector.load %arg11[%get3A_57, %get3A_58] : memref<1x128xf32, #tpu.memory_space<vmem>>, vector<1x128xf32>
    %add3A_60 = vector.broadcast %get3A_59 : vector<1x128xf32> to vector<10000x128xf32>
    %add3A_61 = arith.addf %mul3A_56, %add3A_60 : vector<10000x128xf32>
    %max3A = arith.constant 0.000000e+00 : f32
    %max3A_62 = vector.broadcast %max3A : f32 to vector<10000x128xf32>
    %max3A_63 = arith.maximumf %add3A_61, %max3A_62 : vector<10000x128xf32>
    %get3A_64 = arith.constant 0 : index
    %get3A_65 = arith.constant 0 : index
    %get3A_66 = vector.load %arg8[%get3A_64, %get3A_65] : memref<128x128xf32, #tpu.memory_space<vmem>>, vector<128x128xf32>
    %dot_general3A_67 = arith.constant dense<0.000000e+00> : vector<10000x128xf32>
    %dot_general3A_68 = tpu.matmul %max3A_63, %get3A_66, %dot_general3A_67 {dimension_numbers = #tpu.dot_dimension_numbers<[1], [0], [0], [1], [0, 0, 1, 1], [], []>, transpose_lhs_hint = false} : vector<10000x128xf32>, vector<128x128xf32>, vector<10000x128xf32> -> vector<10000x128xf32>
    %get3A_69 = arith.constant 0 : index
    %get3A_70 = arith.constant 0 : index
    %get3A_71 = vector.load %arg9[%get3A_69, %get3A_70] : memref<1x128xf32, #tpu.memory_space<vmem>>, vector<1x128xf32>
    %add3A_72 = vector.broadcast %get3A_71 : vector<1x128xf32> to vector<10000x128xf32>
    %add3A_73 = arith.addf %dot_general3A_68, %add3A_72 : vector<10000x128xf32>
    %get3A_74 = arith.constant 0 : index
    %get3A_75 = arith.constant 0 : index
    %get3A_76 = vector.load %arg3[%get3A_74, %get3A_75] : memref<10000x128xf32, #tpu.memory_space<vmem>>, vector<10000x128xf32>
    %add3A_77 = arith.addf %add3A_73, %get3A_76 : vector<10000x128xf32>
    %reduce_sum3A_78 = arith.constant dense<0.000000e+00> : vector<128xf32>
    %reduce_sum3A_79 = vector.multi_reduction <add>, %add3A_77, %reduce_sum3A_78 [0] : vector<10000x128xf32> to vector<128xf32>
    %broadcast_in_dim3A_80 = vector.shape_cast %reduce_sum3A_79 : vector<128xf32> to vector<1x128xf32>
    %div3A_81 = arith.constant 1.000000e+04 : f32
    %div3A_82 = vector.broadcast %div3A_81 : f32 to vector<1x128xf32>
    %div3A_83 = arith.divf %broadcast_in_dim3A_80, %div3A_82 : vector<1x128xf32>
    %square3A_84 = arith.mulf %add3A_77, %add3A_77 : vector<10000x128xf32>
    %reduce_sum3A_85 = arith.constant dense<0.000000e+00> : vector<128xf32>
    %reduce_sum3A_86 = vector.multi_reduction <add>, %square3A_84, %reduce_sum3A_85 [0] : vector<10000x128xf32> to vector<128xf32>
    %broadcast_in_dim3A_87 = vector.shape_cast %reduce_sum3A_86 : vector<128xf32> to vector<1x128xf32>
    %div3A_88 = arith.constant 1.000000e+04 : f32
    %div3A_89 = vector.broadcast %div3A_88 : f32 to vector<1x128xf32>
    %div3A_90 = arith.divf %broadcast_in_dim3A_87, %div3A_89 : vector<1x128xf32>
    %square3A_91 = arith.mulf %div3A_83, %div3A_83 : vector<1x128xf32>
    %sub3A_92 = arith.subf %div3A_90, %square3A_91 : vector<1x128xf32>
    %sub3A_93 = vector.broadcast %div3A_83 : vector<1x128xf32> to vector<10000x128xf32>
    %sub3A_94 = arith.subf %add3A_77, %sub3A_93 : vector<10000x128xf32>
    %add3A_95 = arith.constant 9.99999974E-6 : f32
    %add3A_96 = vector.broadcast %add3A_95 : f32 to vector<1x128xf32>
    %add3A_97 = arith.addf %sub3A_92, %add3A_96 : vector<1x128xf32>
    %rsqrt3A_98 = math.rsqrt %add3A_97 : vector<1x128xf32>
    %mul3A_99 = vector.broadcast %rsqrt3A_98 : vector<1x128xf32> to vector<10000x128xf32>
    %mul3A_100 = arith.mulf %sub3A_94, %mul3A_99 : vector<10000x128xf32>
    %get3A_101 = arith.constant 0 : index
    %get3A_102 = arith.constant 0 : index
    %get3A_103 = vector.load %arg12[%get3A_101, %get3A_102] : memref<1x128xf32, #tpu.memory_space<vmem>>, vector<1x128xf32>
    %mul3A_104 = vector.broadcast %get3A_103 : vector<1x128xf32> to vector<10000x128xf32>
    %mul3A_105 = arith.mulf %mul3A_100, %mul3A_104 : vector<10000x128xf32>
    %get3A_106 = arith.constant 0 : index
    %get3A_107 = arith.constant 0 : index
    %get3A_108 = vector.load %arg13[%get3A_106, %get3A_107] : memref<1x128xf32, #tpu.memory_space<vmem>>, vector<1x128xf32>
    %add3A_109 = vector.broadcast %get3A_108 : vector<1x128xf32> to vector<10000x128xf32>
    %add3A_110 = arith.addf %mul3A_105, %add3A_109 : vector<10000x128xf32>
    %max3A_111 = arith.constant 0.000000e+00 : f32
    %max3A_112 = vector.broadcast %max3A_111 : f32 to vector<10000x128xf32>
    %max3A_113 = arith.maximumf %add3A_110, %max3A_112 : vector<10000x128xf32>
    %swap3A = arith.constant 0 : index
    %swap3A_114 = arith.constant 0 : index
    %swap3A_115 = vector.load %arg14[%swap3A, %swap3A_114] : memref<10000x128xf32, #tpu.memory_space<vmem>>, vector<10000x128xf32>
    tpu.vector_store %arg14[%swap3A, %swap3A_114], %max3A_113 {strides = array<i32>} : memref<10000x128xf32, #tpu.memory_space<vmem>>, vector<10000x128xf32>,
    return
  }
}

</mosaic_0001>

<sc_bundles>
// kernel: kernel.4.cloned.1.call-start
scs
__scs_entry_jumppad:
0x0: {  	(pc) =	sbr.rel $0x88, $3  }
0x1: {  	(tag) =	ssettag $0x0;
	lr =	simm.s32 $0x1  }
0x2: {  	[smem:$0x3F94] =	sst lr;
	_ =	strace $0xD0000000  }
0x3: {  	_ = 	snop  }
0x4: {  	_ = 	snop  }
0x5: {  	_ = 	snop  }
0x6: {  	_ = 	snop  }
0x7: {  	_ = 	snop  }
__scs_overlays_trampoline_lowered:
0x8: {  	[smem:$0x3FA3] =	sst s0  }
0x9: {  	[smem:$0x3FA4] =	sst s1  }
0xa: {  	[smem:$0x3FA5] =	sst s2  }
0xb: {  	[smem:$0x3FA6] =	sst s3  }
0xc: {  	[smem:$0x3FA7] =	sst s4  }
0xd: {  	[smem:$0x3FA8] =	sst s5  }
0xe: {  	[smem:$0x3FA9] =	sst s6  }
0xf: {  	[smem:$0x3FAA] =	sst s7  }
0x10: {  	[smem:$0x3FAB] =	sst s8  }
0x11: {  	[smem:$0x3FAC] =	sst s9;
	s0 =	simm.s32 @!p0 $0x0  }
0x12: {  	s1 =	sld [smem:$0x3F92];
	s0 =	simm.s32 @p0 $0x1  }
0x13: {  	[smem:$0x3FAD] =	sst s0;
	s0 =	simm.s32 @!p1 $0x0  }
0x14: {  	s2 =	sld [smem:$0x3F91];
	s0 =	simm.s32 @p1 $0x1  }
0x15: {  	[smem:$0x3FAE] =	sst s0;
	s0 =	simm.s32 @!p2 $0x0  }
0x16: {  	s3 =	sld [smem:$0x3FDB];
	s0 =	simm.s32 @p2 $0x1  }
0x17: {  	s4 =	simm.s32 $0x1BF5;
	[smem:$0x3FB0] =	sst s0  }
0x18: {  	s0 =	sld [smem:$0x3F93];
	_ =	swait.ge [sflag:s4], $0x0  }
0x19: {  	s7 =	sld [smem:$0x3F94]  }
0x1a: {  	s8 =	sadd.s32 $0xFFFFE003, lr  }
0x1b: {  	s9 =	sadd.s32 $0xFFFFFEF7, lr;
	s5 =	simm.s32 $0xFFFFFFFF;
	p2 =	slt.u32 s8, $0xFFFFF086  }
0x1c: {  	p1 =	slt.u32 s9, $0xF7A;
	s5 =	simm.s32 @!p2 $0x0  }
0x1d: {  	s5 =	simm.s32 @p1 $0x1;
	p0 =	seq.s32 s7, s2  }
0x1e: {  	s7 =	smul.u32 @!p0 $0xF7A, s2;
	p2 =	seq.s32 @!p0 s5, $0x0  }
0x1f: {  	s9 =	smul.u32 $0xF7A, s1;
	s8 =	simm.s32 @!p0 $0x1BF5;
	p2 =	por !p2, p0  }
0x20: {  	[sflag:s8] =	ssyncset.s32 @!p0 $0xFFFFF086;
	s6 =	sadd.s32 @!p0 s3, s7;
	s7 =	simm.s32 @!p0 $0x108  }
0x21: {  	s3 =	sadd.s32 s3, s9;
	s6 =	sadd.s32 @!p0 $0x88, s6;
	s7 =	simm.s32 @p2 $0x1082  }
0x22: {  	[simem:s7], [sflag:s8] =	dma.local @!p0 [hbm:s6], $0xF7A  }
0x23: {  	s9 =	sor.u32 $0xD0000000, s2;
	s6 =	simm.s32 $0x108;
	_ =	swait.ge @!p0 [sflag:s8], $0x0  }
0x24: {  	s3 =	sadd.s32 $0x88, s3;
	s6 =	simm.s32 @!p1 $0x1082;
	[sflag:s4] =	ssyncset.s32 $0xFFFFF086  }
0x25: {  	[simem:s6], [sflag:s4] =	dma.local [hbm:s3], $0xF7A  }
0x26: {  	[smem:$0x3F94] =	sst s1;
	(tag) =	ssettag s2;
	_ =	strace s9  }
0x27: {  	s1 =	sld [smem:$0x3FA4]  }
0x28: {  	s2 =	sld [smem:$0x3FA5]  }
0x29: {  	s4 =	sld [smem:$0x3FA7]  }
0x2a: {  	p0 =	seq.s32 s5, $0x0;
	s5 =	sld [smem:$0x3FA8]  }
0x2b: {  	s6 =	sld [smem:$0x3FA9]  }
0x2c: {  	s7 =	sld [smem:$0x3FAA]  }
0x2d: {  	s3 =	simm.s32 $0x108;
	s8 =	sld [smem:$0x3FAB]  }
0x2e: {  	s3 =	simm.s32 @!p0 $0x1082;
	s9 =	sld [smem:$0x3FAC]  }
0x2f: {  	lr =	sadd.s32 s0, s3;
	s0 =	sld [smem:$0x3FA3]  }
0x30: {  	s3 =	sld [smem:$0x3FA6]  }
0x31: {  	[smem:$0x3FAF] =	sst s10  }
0x32: {  	s10 =	sld [smem:$0x3FAD];
	_ =	sdelay $0x3  }
0x33: {  	p0 =	seq.s32 s10, $0x1;
	s10 =	sld [smem:$0x3FAF];
	_ =	sdelay $0x3  }
0x34: {  	[smem:$0x3FAF] =	sst s10  }
0x35: {  	s10 =	sld [smem:$0x3FAE];
	_ =	sdelay $0x3  }
0x36: {  	p1 =	seq.s32 s10, $0x1;
	s10 =	sld [smem:$0x3FAF];
	_ =	sdelay $0x3  }
0x37: {  	[smem:$0x3FAF] =	sst s10  }
0x38: {  	s10 =	sld [smem:$0x3FB0]  }
0x39: {  	_ = 	snop;
	(pc) =	sbr.ind lr, $3  }
0x3a: {  	_ = 	snop  }
0x3b: {  	_ = 	snop  }
0x3c: {  	p2 =	seq.s32 s10, $0x1;
	s10 =	sld [smem:$0x3FAF]  }
0x3d: {  	_ =	shalt  }
0x3e: {  	_ =	shalt  }
0x3f: {  	_ =	shalt  }
0x40: {  	_ =	shalt  }
0x41: {  	_ =	shalt  }
0x42: {  	_ =	shalt  }
0x43: {  	_ =	shalt  }
0x44: {  	_ =	shalt  }
0x45: {  	_ =	shalt  }
0x46: {  	_ =	shalt  }
0x47: {  	_ =	shalt  }
0x48: {  	_ =	shalt  }
0x49: {  	_ =	shalt  }
0x4a: {  	_ =	shalt  }
0x4b: {  	_ =	shalt  }
0x4c: {  	_ =	shalt  }
0x4d: {  	_ =	shalt  }
0x4e: {  	_ =	shalt  }
0x4f: {  	_ =	shalt  }
0x50: {  	_ =	shalt  }
0x51: {  	_ =	shalt  }
0x52: {  	_ =	shalt  }
0x53: {  	_ =	shalt  }
0x54: {  	_ =	shalt  }
0x55: {  	_ =	shalt  }
0x56: {  	_ =	shalt  }
0x57: {  	_ =	shalt  }
0x58: {  	_ =	shalt  }
0x59: {  	_ =	shalt  }
0x5a: {  	_ =	shalt  }
0x5b: {  	_ =	shalt  }
0x5c: {  	_ =	shalt  }
0x5d: {  	_ =	shalt  }
0x5e: {  	_ =	shalt  }
0x5f: {  	_ =	shalt  }
0x60: {  	_ =	shalt  }
0x61: {  	_ =	shalt  }
0x62: {  	_ =	shalt  }
0x63: {  	_ =	shalt  }
0x64: {  	_ =	shalt  }
0x65: {  	_ =	shalt  }
0x66: {  	_ =	shalt  }
0x67: {  	_ =	shalt  }
0x68: {  	_ =	shalt  }
0x69: {  	_ =	shalt  }
0x6a: {  	_ =	shalt  }
0x6b: {  	_ =	shalt  }
0x6c: {  	_ =	shalt  }
0x6d: {  	_ =	shalt  }
0x6e: {  	_ =	shalt  }
0x6f: {  	_ =	shalt  }
0x70: {  	_ =	shalt  }
0x71: {  	_ =	shalt  }
0x72: {  	_ =	shalt  }
0x73: {  	_ =	shalt  }
0x74: {  	_ =	shalt  }
0x75: {  	_ =	shalt  }
0x76: {  	_ =	shalt  }
0x77: {  	_ =	shalt  }
0x78: {  	_ =	shalt  }
0x79: {  	_ =	shalt  }
0x7a: {  	_ =	shalt  }
0x7b: {  	_ =	shalt  }
0x7c: {  	_ =	shalt  }
0x7d: {  	_ =	shalt  }
0x7e: {  	_ =	shalt  }
0x7f: {  	_ =	shalt  }
0x80: {  	_ =	shalt  }
0x81: {  	_ =	shalt  }
0x82: {  	_ =	shalt  }
0x83: {  	_ =	shalt  }
0x84: {  	_ =	shalt  }
0x85: {  	_ =	shalt  }
0x86: {  	_ =	shalt  }
0x87: {  	_ =	shalt  }
.Lfunc_end0:
.L_simem_size_0:
called_computation_lowered:
.L_overlay_start_0:
0x88: {  	s2 =	sld [smem:$0x3FD9]  }
0x89: {  	s3 =	sld [smem:$0x3FFE];
	_ =	sdelay $0x1  }
0x8a: {  	s1 =	srdreg.scid  }
0x8b: {  	s0 =	sand.u32 $0x1, s1  }
0x8c: {  	s17 =	sshll.u32 s0, $0xA;
	s2 =	sadd.s32 s3, s2  }
0x8d: {  	s2 =	sadd.s32 s2, s17  }
0x8e: {  	[smem:$0x3FBB] =	sst s2  }
0x8f: {  	_ = 	snop  }
0x90: {  	s2 =	sld [smem:$0x3FD0];
	(tm) =	ssettm $0x1  }
0x91: {  	s18 =	sld [smem:$0x3FFB];
	_ =	sdelay $0x3  }
0x92: {  	_ =	strace s18  }
0x93: {  	s3 =	sld [smem:$0x3FFC];
	_ =	sdelay $0x3  }
0x94: {  	_ =	strace s3  }
0x95: {  	s3 =	sld [smem:$0x3FFD];
	_ =	sdelay $0x3  }
0x96: {  	_ =	strace s3  }
0x97: {  	_ =	strace $0x8FFFFFFF  }
0x98: {  	s19 =	sld [smem:$0x3FDB];
	_ =	sdelay $0x1  }
0x99: {  	s4 =	simm.s32 $_scs_section_size  }
0x9a: {  	s5 =	simm.s32 $_size__tile_overlayer_lowered;
	s6 =	simm.s32 $_tile_overlayer_lowered  }
0x9b: {  	s22 =	simm.s32 $0x1BFF;
	s21 =	sshll.u32 s6, $0x1;
	s3 =	sadd.s32 s4, s19  }
0x9c: {  	s7 =	simm.s32 $0x0;
	s20 =	sshll.u32 s5, $0x1;
	s5 =	sadd.s32 s21, s3  }
0x9d: {  	[timem:s7], [sflag:s22] =	dma.local [hbm:s5], s20  }
0x9e: {  	_ =	swait.ge [sflag:s22], s20  }
0x9f: {  	s4 =	ssub.s32 $0x0, s20;
	[sflag:s22] =	ssyncset.done $0x0  }
0xa0: {  	[sflag:s22] =	ssyncadd.s32 s4;
	_ =	sdelay $0x1  }
0xa1: {  	s23 =	simm.s32 $0x1B8B  }
0xa2: {  	_ =	swait.ge [sflag:s23], $0x1  }
0xa3: {  	[sflag:s23] =	ssyncset.done $0x0  }
0xa4: {  	s25 =	simm.s32 $0x1B8E;
	s24 =	sld [smem:$0x3FFE];
	[sflag:s23] =	ssyncadd.s32 $0xFFFFFFFF  }
0xa5: {  	s26 =	simm.s32 $execute0_lowered;
	[smem:$0x3FD2] =	sst s25  }
0xa6: {  	s5 =	sshll.u32 s26, $0x1;
	_ =	strace $0x80000046;
	[dreg:$0x1] =	wrdreg $0xFFFFFFFF  }
0xa7: {  	s28 =	simm.s32 $_size_execute0_lowered;
	s3 =	sadd.s32 s3, s5;
	[dreg:$0x0] =	wrdreg $0x0  }
0xa8: {  	s5 =	sshll.u32 s28, $0x1;
	[dreg:$0x2] =	wrdreg s3  }
0xa9: {  	[dreg:$0x3] =	wrdreg s5  }
0xaa: {  	[dreg:$0x4] =	wrdreg $0xC0  }
0xab: {  	_ =	task [dreg:s7], $0x5FFFF  }
0xac: {  	[dreg:$0x1] =	wrdreg $0xFFFFFFFF  }
0xad: {  	[dreg:$0x0] =	wrdreg $0x60  }
0xae: {  	[dreg:$0x2] =	wrdreg s2  }
0xaf: {  	[dreg:$0x3] =	wrdreg s24  }
0xb0: {  	[dreg:$0x4] =	wrdreg $0x6A000  }
0xb1: {  	[dreg:$0x5] =	wrdreg $0x106400  }
0xb2: {  	[dreg:$0x6] =	wrdreg $0x9  }
0xb3: {  	_ =	task.clear_ibuf [dreg:s7], $0x7FFFF;
	_ =	strace $0x90000046  }
0xb4: {  	s29 =	simm.s32 $0x9;
	_ =	strace $0x80000048  }
0xb5: {  	_ =	swait.ge [sflag:s29], $0x1  }
0xb6: {  	[sflag:s29] =	ssyncadd.s32 $0xFFFFFFFF  }
0xb7: {  	_ =	strace $0x90000048  }
0xb8: {  	_ =	sfence  }
0xb9: {  	s30 =	sld [smem:$0x0];
	_ =	sdelay $0x2  }
0xba: {  	s31 =	sshll.u32 s1, $0xD;
	s1 =	sshrl.u32 s1, $0x2  }
0xbb: {  	s3 =	sand.u32 $0x4000, s31;
	s1 =	sadd.s32 s1, s30  }
0xbc: {  	s0 =	sor.u32 s3, s0;
	s1 =	sshll.u32 s1, $0x11  }
0xbd: {  	s0 =	sor.u32 s1, s0  }
0xbe: {  	s0 =	sadd.s32 $0x8F2B, s0  }
0xbf: {  	[sflag:s0] =	ssyncadd.remote.s32 $0x1  }
0xc0: {  	_ =	sfence.sel $0xFFFF  }
0xc1: {  	[dreg:$0x0] =	wrdreg $0xFFFFFFFF;
	(pc) =	sbr.abs _section_cstart, $3  }
0xc2: {  	[dreg:$0x1] =	wrdreg $0xFFFFFFFF  }
0xc3: {  	_ =	task.clear_ibuf [dreg:s7], $0x2FFFF;
	_ =	strace $0x9FFFFFFF  }
0xc4: {  	(tm) =	ssettm $0x7FFFFFFF  }
0xc5: {  	_ =	shalt  }
tec
execute0_lowered:
.L_overlay_start_1:
0x0: {  	(tag) =	ssettag $0x1  }
0x1: {  	s14 =	rddreg [dreg:$0x0]  }
0x2: {  	s16 =	rddreg [dreg:$0x1]  }
0x3: {  	s2 =	rddreg [dreg:$0x2]  }
0x4: {  	s3 =	rddreg [dreg:$0x3];
	s1 =	stileid.u32  }
0x5: {  	s4 =	simm.s32 $0x0;
	s5 =	srdreg.scid;
	s8 =	smul.u32 $0x270, s1  }
0x6: {  	[smem:$0x7FF] =	sst s4;
	s6 =	sshll.u32 s1, $0x4;
	s17 =	smul.u32 $0x9C00, s1  }
0x7: {  	s5 =	sand.u32 $0x1, s5;
	s23 =	sshll.u32 s1, $0x8;
	s22 =	smul.u32 $0x2700, s1  }
0x8: {  	s12 =	sadd.s32 $0x9C000, s2;
	s13 =	sadd.s32 $0x27000, s3;
	p1 =	sne.s32 s1, $0xF  }
0x9: {  	_ =	strace $0x80000047;
	s20 =	sadd.s32 s6, s16;
	s15 =	smul.u32 $0x13880, s5  }
0xa: {  	s7 =	ssub.s32 $0x2, s5;
	s21 =	sadd.s32 s23, s16;
	p0 =	seq.s32 s5, $0x0  }
0xb: {  	s23 =	simm.s32 $0x42200;
	s24 =	sshrl.u32 s7, $0x1;
	s6 =	sadd.s32 s17, s2  }
0xc: {  	s9 =	sadd.s32 $0xD0, s8;
	s11 =	sadd.s32 $0x1A0, s8;
	s23 =	simm.s32 @!p0 $0x3D200  }
0xd: {  	s30 =	sshrl.u32 s22, $0x3;
	s21 =	sadd.s32 $0x4F8000, s21;
	s18 =	sadd.s32 s15, s16  }
0xe: {  	s19 =	ssub.s32 s7, s24;
	s7 =	sadd.s32 s22, s3;
	s10 =	sshll.u32 s9, $0x6  }
0xf: {  	s9 =	sshll.u32 s9, $0x4;
	s25 =	sshll.u32 s11, $0x6;
	s11 =	sshll.u32 s11, $0x4  }
0x10: {  	s14 =	sadd.s32 s14, s15;
	s31 =	sadd.s32 s23, s16;
	s22 =	simm.s32 $0x2900  }
0x11: {  	s23 =	simm.s32 $0x2;
	s24 =	simm.s32 $0x5D00;
	s0 =	sadd.s32 s10, s2  }
0x12: {  	s26 =	sadd.s32 s9, s3;
	s28 =	sadd.s32 s25, s2;
	s29 =	sadd.s32 s11, s3  }
0x13: {  	s15 =	sadd.s32 $0x16000, s18;
	s25 =	sshrl.u32 s17, $0x3;
	[dreg:$0x5] =	wrdreg s0  }
0x14: {  	s16 =	smax.u32 s19, $0x1;
	s17 =	sadd.s32 s31, s30;
	[dreg:$0x6] =	wrdreg s26  }
0x15: {  	s18 =	sadd.s32 $0x4E00, s31;
	s19 =	sadd.s32 $0x2400, s20;
	[dreg:$0x7] =	wrdreg s28  }
0x16: {  	v0 =	vimm.f32 $0.0e+00;
	v1 =	vimm.f32 $1.000000000e+00;
	s20 =	sadd.s32 $0xC200, s20;
	[dreg:$0x8] =	wrdreg s29;
	s25 =	sadd.s32 s25, s15  }
.LBB2_1:
0x17: {  	s26 =	simm.s32 $0x2920  }
0x18: {  	[tilespmem:s26+$0x0] =	vst v0  }
0x19: {  	[tilespmem:s26+$0xFFFFFFE0] =	vst v0  }
0x1a: {  	[tilespmem:s26+$0x10] =	vst v0  }
0x1b: {  	s28 =	simm.s32 $0x40;
	s29 =	simm.s32 $0x0;
	[tilespmem:s26+$0xFFFFFFF0] =	vst v0  }
.LBB2_2:
0x1c: {  	p2 =	sne.s32 s28, $0x33C0  }
0x1d: {  	[tilespmem:s29+$0x5D00] =	vst v0;
	s26 =	sadd.s32 $0x40, s26;
	s29 =	smov.u32 s28;
	s28 =	sadd.s32 $0x40, s28  }
.Ltmp0:
0x1e: {  	[tilespmem:s26+$0x0] =	vst v0;
	(pc) =	sbr.rel @p2 .LBB2_2-.Ltmp0, $4  }
0x1f: {  	_ = 	snop  }
0x20: {  	[tilespmem:s26+$0xFFFFFFE0] =	vst v0  }
0x21: {  	[tilespmem:s26+$0x10] =	vst v0  }
0x22: {  	s29 =	sshra.s32 s29, $0x2;
	[tilespmem:s26+$0xFFFFFFF0] =	vst v0  }
.Ltmp1:
0x23: {  	(pc) =	sbr.rel @p0 .LBB2_7-.Ltmp1, $2  }
0x24: {  	_ =	sdelay $0x2  }
0x25: {  	[tilespmem:s29+$0x5D00] =	vst v0  }
0x26: {  	s26 =	simm.s32 $0x40;
	s28 =	simm.s32 $0x0  }
.LBB2_5:
0x27: {  	p2 =	sne.s32 s26, $0x1FC0;
	[tilespmem:s28+$0x2100] =	vst v1;
	s28 =	smov.u32 s26;
	s26 =	sadd.s32 $0x40, s26  }
.Ltmp2:
0x28: {  	(pc) =	sbr.rel @p2 .LBB2_5-.Ltmp2, $2  }
0x29: {  	_ =	sdelay $0x2  }
0x2a: {  	s28 =	sshra.s32 s28, $0x2  }
0x2b: {  	[tilespmem:s28+$0x2100] =	vst v1  }
.LBB2_7:
0x2c: {  	[spmem:s6] =	stream.linear.scatter [tilespmem:s22], [sflag:$0x2], $0x3400, $0x38;
	[tilespmem:$0x12D50] =	vst v63  }
0x2d: {  	_ =	swait.ge [sflag:s23], $0x3400  }
0x2e: {  	[sflag:s23] =	ssyncset.done $0x0  }
0x2f: {  	[sflag:s23] =	ssyncadd.s32 $0xFFFFCC00  }
0x30: {  	[spmem:s7] =	stream.linear.scatter [tilespmem:s24], [sflag:$0x2], $0xD00, $0x38;
	[tilespmem:$0x12D50] =	vst v63  }
0x31: {  	_ =	swait.ge [sflag:s23], $0xD00  }
0x32: {  	[sflag:s23] =	ssyncset.done $0x0  }
0x33: {  	s0 =	rddreg [dreg:$0x5];
	[sflag:s23] =	ssyncadd.s32 $0xFFFFF300  }
0x34: {  	[spmem:s0] =	stream.linear.scatter [tilespmem:s22], [sflag:$0x2], $0x3400, $0x38;
	[tilespmem:$0x12D50] =	vst v63  }
0x35: {  	_ =	swait.ge [sflag:s23], $0x3400  }
0x36: {  	[sflag:s23] =	ssyncset.done $0x0  }
0x37: {  	s10 =	rddreg [dreg:$0x6];
	[sflag:s23] =	ssyncadd.s32 $0xFFFFCC00  }
0x38: {  	[spmem:s10] =	stream.linear.scatter [tilespmem:s24], [sflag:$0x2], $0xD00, $0x38;
	[tilespmem:$0x12D50] =	vst v63  }
0x39: {  	_ =	swait.ge [sflag:s23], $0xD00  }
0x3a: {  	[sflag:s23] =	ssyncset.done $0x0  }
0x3b: {  	s11 =	rddreg [dreg:$0x7];
	[sflag:s23] =	ssyncadd.s32 $0xFFFFF300  }
0x3c: {  	[spmem:s11] =	stream.linear.scatter [tilespmem:s22], [sflag:$0x2], $0x3400, $0x38;
	[tilespmem:$0x12D50] =	vst v63  }
0x3d: {  	_ =	swait.ge [sflag:s23], $0x3400  }
0x3e: {  	[sflag:s23] =	ssyncset.done $0x0  }
0x3f: {  	s26 =	rddreg [dreg:$0x8];
	[sflag:s23] =	ssyncadd.s32 $0xFFFFCC00  }
0x40: {  	[spmem:s26] =	stream.linear.scatter [tilespmem:s24], [sflag:$0x2], $0xD00, $0x38;
	[tilespmem:$0x12D50] =	vst v63  }
0x41: {  	_ =	swait.ge [sflag:s23], $0xD00  }
0x42: {  	[sflag:s23] =	ssyncset.done $0x0  }
0x43: {  	s26 =	simm.s32 @!p1 $0x2900;
	[sflag:s23] =	ssyncadd.s32 $0xFFFFF300  }
0x44: {  	[spmem:s12] =	stream.linear.scatter @!p1 [tilespmem:s26], [sflag:$0x2], $0x400, $0x38;
	[tilespmem:$0x12D50] =	vst v63  }
0x45: {  	s26 =	simm.s32 @!p1 $0x2  }
0x46: {  	_ =	swait.ge @!p1 [sflag:s26], $0x400  }
0x47: {  	[sflag:s26] =	ssyncset.done @!p1 $0x0  }
0x48: {  	s28 =	simm.s32 @!p1 $0x5D00;
	[sflag:s26] =	ssyncadd.s32 @!p1 $0xFFFFFC00  }
0x49: {  	[spmem:s13] =	stream.linear.scatter @!p1 [tilespmem:s28], [sflag:$0x2], $0x100, $0x38;
	[tilespmem:$0x12D50] =	vst v63  }
0x4a: {  	_ =	swait.ge @!p1 [sflag:s26], $0x100  }
0x4b: {  	p2 =	sgt.u32 s1, $0x9C3;
	[sflag:s26] =	ssyncset.done @!p1 $0x0  }
0x4c: {  	s29 =	simm.s32 @!p2 $0x3;
	s28 =	simm.s32 @!p2 $0x0;
	[sflag:s26] =	ssyncadd.s32 @!p1 $0xFFFFFF00  }
0x4d: {  	s26 =	sadd.s32 @!p2 $0x0, s20;
	p2 =	por p2, p2;
	[bflag:$0x0] =	sbarrier.arrive $0xFFFF  }
0x4e: {  	[tilespmem:s28], [sflag:$0x3] =	stream.linear.gather @!p2 [hbm4b:s26+s28], $0x80, $0x38;
	[tilespmem:$0x12D50] =	vst v63  }
0x4f: {  	_ =	swait.ge @!p2 [sflag:s29], $0x80  }
0x50: {  	[sflag:s29] =	ssyncset.done @!p2 $0x0  }
0x51: {  	s30 =	simm.s32 @!p2 $0x80;
	s26 =	sadd.s32 @!p2 $0x0, s19;
	[sflag:s29] =	ssyncadd.s32 @!p2 $0xFFFFFF80  }
0x52: {  	[tilespmem:s30], [sflag:$0x3] =	stream.linear.gather @!p2 [hbm4b:s26+s28], $0x80, $0x38;
	[tilespmem:$0x12D50] =	vst v63  }
0x53: {  	p3 =	sne.s32 @!p2 s5, $0x0;
	_ =	swait.ge @!p2 [sflag:s29], $0x80  }
0x54: {  	p3 =	por p3, p2;
	[sflag:s29] =	ssyncset.done @!p2 $0x0  }
0x55: {  	s31 =	simm.s32 @!p3 $0x2100;
	s26 =	simm.s32 @!p3 $0x0;
	[sflag:s29] =	ssyncadd.s32 @!p2 $0xFFFFFF80  }
0x56: {  	[tilespmem:s31], [sflag:$0x3] =	stream.linear.gather @!p3 [hbm4b:s21+s26], $0x800, $0x38;
	[tilespmem:$0x12D50] =	vst v63  }
0x57: {  	s26 =	simm.s32 @!p3 $0x3  }
0x58: {  	_ =	swait.ge @!p3 [sflag:s26], $0x800  }
0x59: {  	[sflag:s26] =	ssyncset.done @!p3 $0x0  }
0x5a: {  	s31 =	simm.s32 @!p2 $0x100;
	[sflag:s26] =	ssyncadd.s32 @!p3 $0xFFFFF800;
	s26 =	simm.s32 @!p2 $0x1  }
0x5b: {  	[tilespmem:s31], [sflag:$0x1] =	stream.indirect.gather @!p2 [hbm4b:s14+s30], $0x40, s28, s30, $0xb8;
	[tilespmem:$0x12D50] =	vst v63  }
0x5c: {  	_ =	swait.ge @!p2 [sflag:s26], $0x2000  }
0x5d: {  	[sflag:s26] =	ssyncset.done @!p2 $0x0  }
0x5e: {  	[sflag:s26] =	ssyncadd.s32 @!p2 $0xFFFFE000  }
0x5f: {  	[spmem:s2] =	stream.indirect.scatter.add.f32 @!p2 [tilespmem:s31], [sflag:$0x3], $0x40, s30, s30, $0xb8;
	[tilespmem:$0x12D50] =	vst v63  }
0x60: {  	_ =	swait.ge @!p2 [sflag:s29], $0x2000  }
0x61: {  	s28 =	simm.s32 $0x100;
	s26 =	simm.s32 @!p2 $0x2100;
	[sflag:s29] =	ssyncset.done @!p2 $0x0  }
0x62: {  	s31 =	simm.s32 @!p2 $0x2;
	[sflag:s29] =	ssyncadd.s32 @!p2 $0xFFFFE000;
	s29 =	simm.s32 $0x200  }
0x63: {  	[spmem:s3] =	stream.indirect.scatter.add.f32 @!p2 [tilespmem:s26], [sflag:$0x2], $0x10, s30, s30, $0xb8;
	[tilespmem:$0x12D50] =	vst v63  }
0x64: {  	s26 =	sadd.s32 $0x1000, s21;
	s30 =	sadd.s32 $0x10, s1;
	_ =	swait.ge @!p2 [sflag:s31], $0x800  }
.LBB2_8:
0x65: {  	p4 =	sgt.u32 s30, $0x9C3  }
0x66: {  	[sflag:s31] =	ssyncset.done @!p2 $0x0;
	s0 =	smov.u32 s29;
	s29 =	sadd.s32 $0x100, s29  }
0x67: {  	s8 =	sadd.s32 @!p4 s28, s20;
	s9 =	simm.s32 @!p4 $0x0;
	s10 =	simm.s32 @!p4 $0x3  }
0x68: {  	p3 =	sne.s32 s29, $0x9D00;
	[sflag:s31] =	ssyncadd.s32 @!p2 $0xFFFFF800;
	p2 =	por p4, p4  }
0x69: {  	[tilespmem:s9], [sflag:$0x3] =	stream.linear.gather @!p2 [hbm4b:s8+s9], $0x80, $0x38;
	[tilespmem:$0x12D50] =	vst v63  }
0x6a: {  	_ =	swait.ge @!p2 [sflag:s10], $0x80  }
0x6b: {  	s8 =	sadd.s32 @!p2 s28, s19;
	s11 =	simm.s32 @!p2 $0x80;
	[sflag:s10] =	ssyncset.done @!p2 $0x0  }
0x6c: {  	p4 =	sne.s32 @!p2 s5, $0x0;
	s28 =	smov.u32 s0;
	[sflag:s10] =	ssyncadd.s32 @!p2 $0xFFFFFF80  }
0x6d: {  	[tilespmem:s11], [sflag:$0x3] =	stream.linear.gather @!p2 [hbm4b:s8+s9], $0x80, $0x38;
	[tilespmem:$0x12D50] =	vst v63  }
0x6e: {  	p4 =	por p4, p2;
	_ =	swait.ge @!p2 [sflag:s10], $0x80  }
0x6f: {  	s0 =	simm.s32 @!p4 $0x0;
	s8 =	simm.s32 @!p4 $0x2100;
	[sflag:s10] =	ssyncset.done @!p2 $0x0  }
0x70: {  	s31 =	simm.s32 @!p4 $0x3;
	[sflag:s10] =	ssyncadd.s32 @!p2 $0xFFFFFF80  }
0x71: {  	[tilespmem:s8], [sflag:$0x3] =	stream.linear.gather @!p4 [hbm4b:s26+s0], $0x800, $0x38;
	[tilespmem:$0x12D50] =	vst v63  }
0x72: {  	_ =	swait.ge @!p4 [sflag:s31], $0x800  }
0x73: {  	s0 =	simm.s32 @!p2 $0x100;
	[sflag:s31] =	ssyncset.done @!p4 $0x0  }
0x74: {  	s8 =	simm.s32 @!p2 $0x1;
	[sflag:s31] =	ssyncadd.s32 @!p4 $0xFFFFF800  }
0x75: {  	[tilespmem:s0], [sflag:$0x1] =	stream.indirect.gather @!p2 [hbm4b:s14+s11], $0x40, s9, s11, $0xb8;
	[tilespmem:$0x12D50] =	vst v63  }
0x76: {  	_ =	swait.ge @!p2 [sflag:s8], $0x2000  }
0x77: {  	[sflag:s8] =	ssyncset.done @!p2 $0x0  }
0x78: {  	[sflag:s8] =	ssyncadd.s32 @!p2 $0xFFFFE000  }
0x79: {  	[spmem:s2] =	stream.indirect.scatter.add.f32 @!p2 [tilespmem:s0], [sflag:$0x3], $0x40, s11, s11, $0xb8;
	[tilespmem:$0x12D50] =	vst v63  }
.Ltmp3:
0x7a: {  	_ =	swait.ge @!p2 [sflag:s10], $0x2000;
	(pc) =	sbr.rel @p3 .LBB2_8-.Ltmp3, $4  }
0x7b: {  	s0 =	simm.s32 @!p2 $0x2100;
	[sflag:s10] =	ssyncset.done @!p2 $0x0  }
0x7c: {  	s31 =	simm.s32 @!p2 $0x2;
	[sflag:s10] =	ssyncadd.s32 @!p2 $0xFFFFE000  }
0x7d: {  	[spmem:s3] =	stream.indirect.scatter.add.f32 @!p2 [tilespmem:s0], [sflag:$0x2], $0x10, s11, s11, $0xb8;
	[tilespmem:$0x12D50] =	vst v63  }
0x7e: {  	s30 =	sadd.s32 $0x10, s30;
	s26 =	sadd.s32 $0x1000, s26;
	_ =	swait.ge @!p2 [sflag:s31], $0x800  }
0x7f: {  	p3 =	sgt.u32 s30, $0x9C3  }
0x80: {  	[sflag:s31] =	ssyncset.done @!p2 $0x0;
	s0 =	sadd.s32 @!p3 s28, s20;
	s8 =	simm.s32 @!p3 $0x0  }
0x81: {  	s9 =	simm.s32 @!p3 $0x3;
	[sflag:s31] =	ssyncadd.s32 @!p2 $0xFFFFF800;
	p2 =	por p3, p3  }
0x82: {  	[tilespmem:s8], [sflag:$0x3] =	stream.linear.gather @!p2 [hbm4b:s0+s8], $0x80, $0x38;
	[tilespmem:$0x12D50] =	vst v63  }
0x83: {  	_ =	swait.ge @!p2 [sflag:s9], $0x80  }
0x84: {  	s0 =	sadd.s32 @!p2 s28, s19;
	[sflag:s9] =	ssyncset.done @!p2 $0x0  }
0x85: {  	s10 =	simm.s32 @!p2 $0x80;
	p3 =	sne.s32 @!p2 s5, $0x0;
	[sflag:s9] =	ssyncadd.s32 @!p2 $0xFFFFFF80  }
0x86: {  	[tilespmem:s10], [sflag:$0x3] =	stream.linear.gather @!p2 [hbm4b:s0+s8], $0x80, $0x38;
	[tilespmem:$0x12D50] =	vst v63  }
0x87: {  	p3 =	por p3, p2;
	_ =	swait.ge @!p2 [sflag:s9], $0x80  }
0x88: {  	s11 =	simm.s32 @!p3 $0x2100;
	[sflag:s9] =	ssyncset.done @!p2 $0x0  }
0x89: {  	s28 =	simm.s32 @!p3 $0x3;
	s0 =	simm.s32 @!p3 $0x0;
	[sflag:s9] =	ssyncadd.s32 @!p2 $0xFFFFFF80  }
0x8a: {  	[tilespmem:s11], [sflag:$0x3] =	stream.linear.gather @!p3 [hbm4b:s26+s0], $0x800, $0x38;
	[tilespmem:$0x12D50] =	vst v63  }
0x8b: {  	_ =	swait.ge @!p3 [sflag:s28], $0x800  }
0x8c: {  	[sflag:s28] =	ssyncset.done @!p3 $0x0  }
0x8d: {  	s0 =	simm.s32 @!p2 $0x100;
	s11 =	simm.s32 @!p2 $0x1;
	[sflag:s28] =	ssyncadd.s32 @!p3 $0xFFFFF800  }
0x8e: {  	[tilespmem:s0], [sflag:$0x1] =	stream.indirect.gather @!p2 [hbm4b:s14+s10], $0x40, s8, s10, $0xb8;
	[tilespmem:$0x12D50] =	vst v63  }
0x8f: {  	_ =	swait.ge @!p2 [sflag:s11], $0x2000  }
0x90: {  	[sflag:s11] =	ssyncset.done @!p2 $0x0  }
0x91: {  	[sflag:s11] =	ssyncadd.s32 @!p2 $0xFFFFE000  }
0x92: {  	[spmem:s2] =	stream.indirect.scatter.add.f32 @!p2 [tilespmem:s0], [sflag:$0x3], $0x40, s10, s10, $0xb8;
	[tilespmem:$0x12D50] =	vst v63  }
0x93: {  	_ =	swait.ge @!p2 [sflag:s9], $0x2000  }
0x94: {  	[sflag:s9] =	ssyncset.done @!p2 $0x0  }
0x95: {  	s8 =	simm.s32 @!p2 $0x2;
	s0 =	simm.s32 @!p2 $0x2100;
	[sflag:s9] =	ssyncadd.s32 @!p2 $0xFFFFE000  }
0x96: {  	[spmem:s3] =	stream.indirect.scatter.add.f32 @!p2 [tilespmem:s0], [sflag:$0x2], $0x10, s10, s10, $0xb8;
	[tilespmem:$0x12D50] =	vst v63  }
0x97: {  	_ =	swait.ge @!p2 [sflag:s8], $0x800  }
0x98: {  	[sflag:s8] =	ssyncset.done @!p2 $0x0  }
0x99: {  	s29 =	sshll.u32 s1, $0x6;
	[sflag:s8] =	ssyncadd.s32 @!p2 $0xFFFFF800  }
0x9a: {  	s30 =	sshrl.u32 s6, $0x3;
	s0 =	sor.u32 $0x1C02, s29;
	[bflag:$0x0] =	sbarrier.arrive $0xFFFF  }
0x9b: {  	[hbm:s25], [sflag:s0] =	dma.local [spmem:s30], $0x1380  }
0x9c: {  	_ =	swait.ge [sflag:s23], $0x1380  }
0x9d: {  	[sflag:s23] =	ssyncset.done $0x0  }
0x9e: {  	s31 =	sshrl.u32 s7, $0x3;
	[sflag:s23] =	ssyncadd.s32 $0xFFFFEC80  }
0x9f: {  	[hbm:s17], [sflag:s0] =	dma.local [spmem:s31], $0x4E0  }
0xa0: {  	_ =	swait.ge [sflag:s23], $0x4E0  }
0xa1: {  	[sflag:s23] =	ssyncset.done $0x0  }
0xa2: {  	s9 =	sshrl.u32 @!p1 s12, $0x3;
	s8 =	sadd.s32 @!p1 $0x13800, s15;
	[sflag:s23] =	ssyncadd.s32 $0xFFFFFB20  }
0xa3: {  	[hbm:s8], [sflag:s0] =	dma.local @!p1 [spmem:s9], $0x80  }
0xa4: {  	s8 =	simm.s32 @!p1 $0x2  }
0xa5: {  	s4 =	sadd.s32 $0x1, s4;
	_ =	swait.ge @!p1 [sflag:s8], $0x80  }
0xa6: {  	p2 =	sne.s32 s4, s16;
	[sflag:s8] =	ssyncset.done @!p1 $0x0  }
.Ltmp4:
0xa7: {  	s9 =	sshrl.u32 @!p1 s13, $0x3;
	[sflag:s8] =	ssyncadd.s32 @!p1 $0xFFFFFF80;
	(pc) =	sbr.rel @p2 .LBB2_1-.Ltmp4, $4  }
0xa8: {  	[hbm:s18], [sflag:s0] =	dma.local @!p1 [spmem:s9], $0x20  }
0xa9: {  	_ =	swait.ge @!p1 [sflag:s8], $0x20  }
0xaa: {  	[sflag:s8] =	ssyncset.done @!p1 $0x0  }
0xab: {  	[sflag:s8] =	ssyncadd.s32 @!p1 $0xFFFFFFE0  }
0xac: {  	_ =	sfence.sel $0x180000  }
0xad: {  	[bflag:$0x0] =	sbarrier.arrive $0xFFFF  }
0xae: {  	_ =	strace $0x90000047  }
0xaf: {  	[bflag:$0x2] =	sbarrier.arrive $0xFFFF  }
0xb0: {  	p0 =	sne.s32 s1, $0x0;
	s0 =	rddreg [dreg:$0x4]  }
0xb1: {  	s0 =	sadd.s32 @!p0 $0x100000, s0  }
0xb2: {  	[sflag:s0] =	ssyncadd.tile.s32 @!p0 $0x1;
	_ =	shalt  }
.Lfunc_end2:
_tile_overlayer_lowered:
.L_overlay_start_2:
0xb3: {  	(tag) =	ssettag $0x2  }
0xb4: {  	s0 =	rddreg [dreg:$0x0];
	s2 =	stileid.u32  }
0xb5: {  	s1 =	rddreg [dreg:$0x1];
	p0 =	sne.s32 s2, $0x0  }
0xb6: {  	s3 =	rddreg [dreg:$0x2];
	[bflag:$0x3] =	sbarrier.arrive $0xFFFF;
	s2 =	simm.s32 @!p0 $0x1C02  }
0xb7: {  	[timem:s3], [sflag:s2] =	dma.local @!p0 [hbm:s0], s1  }
0xb8: {  	s0 =	simm.s32 @!p0 $0x2  }
0xb9: {  	_ =	swait.ge @!p0 [sflag:s0], s1  }
0xba: {  	s1 =	ssub.s32 @!p0 $0x0, s1;
	[sflag:s0] =	ssyncset.done @!p0 $0x0  }
0xbb: {  	[sflag:s0] =	ssyncadd.s32 @!p0 s1  }
0xbc: {  	[bflag:$0x3] =	sbarrier.arrive $0xFFFF  }
0xbd: {  	_ =	shalt  }

</sc_bundles>
